<compile_context>
chip_gen: v7x
topology: tpu7x:2x2x1
jax: 0.10.2.dev20260603
libtpu: 0.0.44.dev20260713+nightly
codegen_flags: <defaults>
</compile_context>

<pallas_src>
import functools

import jax
import jax.numpy as jnp
from jax import lax
from jax.experimental import pallas as pl
from jax.experimental.pallas import tpu as pltpu
from jax.experimental.pallas import tpu_sc as plsc

N = 50000
E = 1600000
D = 3
HD = 64
H_SMOOTH = 0.5

NW = 32
TD = 16
SLAB_ROWS = 800
MACRO = 6400
SUBS = MACRO // SLAB_ROWS
NMACRO = 8
EPW = MACRO * NMACRO
EPAD = NW * EPW
NSTEP = NMACRO * SUBS

EDGE_BLK = 3200

NNH = N // 2
NNP = 25600
STRIPE = NNP // 16
CHN = 2048
EPW2 = EPAD // 16
CPL = EPW2 // CHN


def _sc_gather_body(v4_hbm, i2_hbm, j2_hbm, outi_hbm, outj_hbm,
                    idxIA, idxIB, idxJA, idxJB,
                    slabIA, slabIB, slabJA, slabJB,
                    sem_g0, sem_g1, sem_o0, sem_o1):
    core = lax.axis_index("c")
    sub = lax.axis_index("s")
    wid = sub * 2 + core
    base_rows = wid * EPW

    idxI = (idxIA, idxIB)
    idxJ = (idxJA, idxJB)
    slabsI = (slabIA, slabIB)
    slabsJ = (slabJA, slabJB)
    sems_g = (sem_g0, sem_g1)
    sems_o = (sem_o0, sem_o1)

    def wait_gathers(par):
        pltpu.make_async_copy(
            v4_hbm.at[idxI[0].at[pl.ds(0, SLAB_ROWS)]], slabsI[par],
            sems_g[par]).wait()
        pltpu.make_async_copy(
            v4_hbm.at[idxJ[0].at[pl.ds(0, SLAB_ROWS)]], slabsJ[par],
            sems_g[par]).wait()

    def fire_store(s, par):
        row0 = base_rows + s * SLAB_ROWS
        pltpu.async_copy(slabsI[par],
                         outi_hbm.at[pl.ds(row0, SLAB_ROWS)], sems_o[par])
        pltpu.async_copy(slabsJ[par],
                         outj_hbm.at[pl.ds(row0, SLAB_ROWS)], sems_o[par])

    def drain_store(par):
        pltpu.make_async_copy(
            slabsI[par], outi_hbm.at[pl.ds(0, SLAB_ROWS)], sems_o[par]).wait()
        pltpu.make_async_copy(
            slabsJ[par], outj_hbm.at[pl.ds(0, SLAB_ROWS)], sems_o[par]).wait()

    def macro_pair(m2, carry):
        for mh in range(2):
            m = m2 * 2 + mh
            pltpu.sync_copy(i2_hbm.at[wid, pl.ds(m * MACRO, MACRO)], idxI[mh])
            pltpu.sync_copy(j2_hbm.at[wid, pl.ds(m * MACRO, MACRO)], idxJ[mh])

            def sub2(t2, carry2, _m=m, _mh=mh):
                for half in range(2):
                    t = t2 * 2 + half
                    s = _m * SUBS + t
                    par = half

                    @pl.when(s >= 2)
                    def _():
                        drain_store(par)
                    pltpu.async_copy(
                        v4_hbm.at[idxI[_mh].at[pl.ds(t * SLAB_ROWS,
                                                     SLAB_ROWS)]],
                        slabsI[par], sems_g[par])
                    pltpu.async_copy(
                        v4_hbm.at[idxJ[_mh].at[pl.ds(t * SLAB_ROWS,
                                                     SLAB_ROWS)]],
                        slabsJ[par], sems_g[par])

                    @pl.when(s >= 1)
                    def _():
                        wait_gathers(1 - par)
                        fire_store(s - 1, 1 - par)
                return carry2

            lax.fori_loop(0, SUBS // 2, sub2, 0)
        return carry

    lax.fori_loop(0, NMACRO // 2, macro_pair, 0)

    last_par = (NSTEP - 1) % 2
    wait_gathers(last_par)
    fire_store(NSTEP - 1, last_par)
    drain_store(0)
    drain_store(1)


def _sc_gather(v4, i2, j2):
    mesh = plsc.VectorSubcoreMesh(core_axis_name="c", subcore_axis_name="s")
    f = pl.kernel(
        _sc_gather_body,
        out_type=[
            jax.ShapeDtypeStruct((EPAD, TD), jnp.float32),
            jax.ShapeDtypeStruct((EPAD, TD), jnp.float32),
        ],
        mesh=mesh,
        scratch_types=[
            pltpu.VMEM((MACRO,), jnp.int32),
            pltpu.VMEM((MACRO,), jnp.int32),
            pltpu.VMEM((MACRO,), jnp.int32),
            pltpu.VMEM((MACRO,), jnp.int32),
            pltpu.VMEM((SLAB_ROWS, TD), jnp.float32),
            pltpu.VMEM((SLAB_ROWS, TD), jnp.float32),
            pltpu.VMEM((SLAB_ROWS, TD), jnp.float32),
            pltpu.VMEM((SLAB_ROWS, TD), jnp.float32),
            pltpu.SemaphoreType.DMA,
            pltpu.SemaphoreType.DMA,
            pltpu.SemaphoreType.DMA,
            pltpu.SemaphoreType.DMA,
        ],
        compiler_params=pltpu.CompilerParams(use_tc_tiling_on_sc=False),
    )
    return f(v4, i2, j2)


def _sc_scatter_body(ti_hbm, tj_hbm, in_hbm, jn_hbm, out_hbm,
                     idxI0, idxI1, valI0, valI1, idxJ0, idxJ1, valJ0, valJ1,
                     ones, zbuf, bsi, bci, bsj, bcj, bres,
                     sh_si, sh_ci, sh_sj, sh_cj,
                     sem_l0, sem_l1, sem_s):
    core = lax.axis_index("c")
    sub = lax.axis_index("s")
    nodebase = core * NNH
    ebase = sub * EPW2

    idxI = (idxI0, idxI1)
    valI = (valI0, valI1)
    idxJ = (idxJ0, idxJ1)
    valJ = (valJ0, valJ1)
    sems_l = (sem_l0, sem_l1)
    shareds = (sh_si, sh_ci, sh_sj, sh_cj)

    def fill(k, carry):
        ones[pl.ds(k * 16, 16)] = jnp.full((16,), 1.0, jnp.float32)
        return carry
    lax.fori_loop(0, CHN // 16, fill, 0)

    def zfill(k, carry):
        zbuf[pl.ds(k * 16, 16)] = jnp.zeros((16,), jnp.float32)
        return carry
    lax.fori_loop(0, STRIPE // 16, zfill, 0)
    for arr in shareds:
        pltpu.sync_copy(zbuf, arr.at[pl.ds(sub * STRIPE, STRIPE)])
    plsc.subcore_barrier()

    def fire_loads(c, p):
        off = ebase + c * CHN
        pltpu.async_copy(in_hbm.at[pl.ds(off, CHN)], idxI[p], sems_l[p])
        pltpu.async_copy(ti_hbm.at[pl.ds(off, CHN)], valI[p], sems_l[p])
        pltpu.async_copy(jn_hbm.at[pl.ds(off, CHN)], idxJ[p], sems_l[p])
        pltpu.async_copy(tj_hbm.at[pl.ds(off, CHN)], valJ[p], sems_l[p])

    def drain_loads(p):
        pltpu.make_async_copy(in_hbm.at[pl.ds(0, CHN)], idxI[p],
                              sems_l[p]).wait()
        pltpu.make_async_copy(ti_hbm.at[pl.ds(0, CHN)], valI[p],
                              sems_l[p]).wait()
        pltpu.make_async_copy(jn_hbm.at[pl.ds(0, CHN)], idxJ[p],
                              sems_l[p]).wait()
        pltpu.make_async_copy(tj_hbm.at[pl.ds(0, CHN)], valJ[p],
                              sems_l[p]).wait()

    def remap(p):
        def body(k, carry):
            sl = pl.ds(k * 16, 16)
            for buf in (idxI[p], idxJ[p]):
                x = buf[sl]
                loc = x - nodebase
                ok = (loc >= 0) & (loc < NNH)
                buf[sl] = jnp.where(ok, loc, NNH)
            return carry
        lax.fori_loop(0, CHN // 16, body, 0)

    def fire_scatters(p):
        pltpu.async_copy(valI[p], sh_si.at[idxI[p]], sem_s, add=True)
        pltpu.async_copy(ones, sh_ci.at[idxI[p]], sem_s, add=True)
        pltpu.async_copy(valJ[p], sh_sj.at[idxJ[p]], sem_s, add=True)
        pltpu.async_copy(ones, sh_cj.at[idxJ[p]], sem_s, add=True)

    def drain_scatters(p):
        pltpu.make_async_copy(valI[p], sh_si.at[idxI[p]], sem_s).wait()
        pltpu.make_async_copy(ones, sh_ci.at[idxI[p]], sem_s).wait()
        pltpu.make_async_copy(valJ[p], sh_sj.at[idxJ[p]], sem_s).wait()
        pltpu.make_async_copy(ones, sh_cj.at[idxJ[p]], sem_s).wait()

    fire_loads(0, 0)

    def chunk_pair(c2, carry):
        for p in range(2):
            c = c2 * 2 + p
            drain_loads(p)
            remap(p)

            @pl.when(c >= 1)
            def _():
                drain_scatters(1 - p)
            fire_scatters(p)

            @pl.when(c < CPL - 1)
            def _():
                fire_loads(c + 1, 1 - p)
        return carry

    lax.fori_loop(0, CPL // 2, chunk_pair, 0)
    drain_scatters((CPL - 1) % 2)
    plsc.subcore_barrier()

    s0 = sub * STRIPE
    pltpu.sync_copy(sh_si.at[pl.ds(s0, STRIPE)], bsi)
    pltpu.sync_copy(sh_ci.at[pl.ds(s0, STRIPE)], bci)
    pltpu.sync_copy(sh_sj.at[pl.ds(s0, STRIPE)], bsj)
    pltpu.sync_copy(sh_cj.at[pl.ds(s0, STRIPE)], bcj)

    def div(k, carry):
        sl = pl.ds(k * 16, 16)
        res = (bsi[sl] / jnp.maximum(bci[sl], 1.0)
               + bsj[sl] / jnp.maximum(bcj[sl], 1.0))
        bres[sl] = res
        return carry
    lax.fori_loop(0, STRIPE // 16, div, 0)

    node0 = nodebase + s0
    nvalid = NNH - 15 * STRIPE

    @pl.when(sub < 15)
    def _():
        pltpu.sync_copy(bres, out_hbm.at[pl.ds(node0, STRIPE)])

    @pl.when(sub == 15)
    def _():
        pltpu.sync_copy(bres.at[pl.ds(0, nvalid)],
                        out_hbm.at[pl.ds(node0, nvalid)])


def _sc_scatter(ti_pad, tj_pad, i_n, j_n):
    mesh = plsc.VectorSubcoreMesh(core_axis_name="c", subcore_axis_name="s")
    f = pl.kernel(
        _sc_scatter_body,
        out_type=jax.ShapeDtypeStruct((N,), jnp.float32),
        mesh=mesh,
        scratch_types=(
            [pltpu.VMEM((CHN,), jnp.int32) for _ in range(2)]
            + [pltpu.VMEM((CHN,), jnp.float32) for _ in range(2)]
            + [pltpu.VMEM((CHN,), jnp.int32) for _ in range(2)]
            + [pltpu.VMEM((CHN,), jnp.float32) for _ in range(2)]
            + [pltpu.VMEM((CHN,), jnp.float32)]
            + [pltpu.VMEM((STRIPE,), jnp.float32) for _ in range(6)]
            + [pltpu.VMEM_SHARED((NNP,), jnp.float32) for _ in range(4)]
            + [pltpu.SemaphoreType.DMA for _ in range(3)]
        ),
        compiler_params=pltpu.CompilerParams(use_tc_tiling_on_sc=False),
    )
    return f(ti_pad, tj_pad, i_n, j_n)


def _silu(x):
    return x * jax.nn.sigmoid(x)


def _mlp_body(r_ref, vi_ref, vj_ref, W1_ref, b1_ref, W2_ref, b2_ref, W3_ref,
              b3_ref, ti_ref, tj_ref):
    r_blk = r_ref[...]
    vij = vi_ref[:, 0:4] - vj_ref[:, 0:4]
    W1 = W1_ref[...]
    b1 = b1_ref[...]
    W2 = W2_ref[...]
    b2 = b2_ref[...]
    W3 = W3_ref[...]
    b3 = b3_ref[0, 0]

    r = jnp.sqrt(jnp.sum(r_blk * r_blk, axis=1, keepdims=True))
    rn = r * (1.0 / H_SMOOTH)
    w_r = W1[:, 0:1].T
    W_v = W1[:, 1:4]
    a = rn * w_r + b1
    c = lax.dot_general(vij[:, 0:3], W_v, (((1,), (1,)), ((), ())),
                        preferred_element_type=jnp.float32)
    h_i = _silu(a + c)
    h_j = _silu(a - c)
    z_i = _silu(lax.dot_general(h_i, W2, (((1,), (1,)), ((), ())),
                                preferred_element_type=jnp.float32) + b2)
    z_j = _silu(lax.dot_general(h_j, W2, (((1,), (1,)), ((), ())),
                                preferred_element_type=jnp.float32) + b2)
    ti_ref[...] = jnp.sum(z_i * W3, axis=1, keepdims=True) + b3
    tj_ref[...] = jnp.sum(z_j * W3, axis=1, keepdims=True) + b3


def _edge_mlp(r_ij, vi_pad, vj_pad, W1, b1, W2, b2, W3, b3):
    nblk = E // EDGE_BLK
    blk = lambda i: (i, 0)
    full = lambda i: (0, 0)
    return pl.pallas_call(
        _mlp_body,
        grid=(nblk,),
        in_specs=[
            pl.BlockSpec((EDGE_BLK, 3), blk),
            pl.BlockSpec((EDGE_BLK, TD), blk),
            pl.BlockSpec((EDGE_BLK, TD), blk),
            pl.BlockSpec((HD, 4), full),
            pl.BlockSpec((1, HD), full),
            pl.BlockSpec((HD, HD), full),
            pl.BlockSpec((1, HD), full),
            pl.BlockSpec((1, HD), full),
            pl.BlockSpec((1, 1), full),
        ],
        out_specs=[
            pl.BlockSpec((EDGE_BLK, 1), blk),
            pl.BlockSpec((EDGE_BLK, 1), blk),
        ],
        out_shape=[
            jax.ShapeDtypeStruct((E, 1), jnp.float32),
            jax.ShapeDtypeStruct((E, 1), jnp.float32),
        ],
    )(r_ij, vi_pad, vj_pad, W1, b1.reshape(1, HD), W2, b2.reshape(1, HD), W3,
      b3.reshape(1, 1))


def kernel(edge_index, r_ij, v, W1, b1, W2, b2, W3, b3):
    i = edge_index[0]
    j = edge_index[1]
    v4 = jnp.pad(v, ((0, 0), (0, TD - D)))
    i2 = jnp.pad(i, (0, EPAD - E)).reshape(NW, EPW)
    j2 = jnp.pad(j, (0, EPAD - E)).reshape(NW, EPW)
    vi_pad, vj_pad = _sc_gather(v4, i2, j2)
    t_i, t_j = _edge_mlp(r_ij, vi_pad, vj_pad, W1, b1, W2, b2, W3, b3)
    ti_pad = jnp.pad(t_i[:, 0], (0, EPAD - E))
    tj_pad = jnp.pad(t_j[:, 0], (0, EPAD - E))
    i_n = jnp.pad(i, (0, EPAD - E), constant_values=N)
    j_n = jnp.pad(j, (0, EPAD - E), constant_values=N)
    return _sc_scatter(ti_pad, tj_pad, i_n, j_n).reshape(N, 1)

# --- scband reference (transcript-rebuilt; emitter-appended) ---
"""Pipeline reference for scband-cg-model-s-jit-48911087567269 (READ-ONLY COPY).

The authoritative reference and input builder live on the scoring server;
editing this copy changes nothing except your own understanding.
"""

import jax, jax.numpy as jnp
import numpy as np

N = 50000
E = 1600000
D = 3
HD = 64
H_SMOOTH = 0.5


def setup_inputs(seed: int = 0) -> dict:
    key = jax.random.key(seed)
    ks = jax.random.split(key, 9)
    edge_index = jax.random.randint(ks[0], (2, E), 0, N)
    r_ij = jax.random.normal(ks[1], (E, D), dtype=jnp.float32)
    v = jax.random.normal(ks[2], (N, D), dtype=jnp.float32)
    # teacher MLP params: layer_vec = [1+D, HD, HD, 1] = [4, 64, 64, 1]
    W1 = jax.random.normal(ks[3], (HD, 1 + D), dtype=jnp.float32) * (1.0 / np.sqrt(1 + D))
    b1 = jax.random.normal(ks[4], (HD,), dtype=jnp.float32) * 0.01
    W2 = jax.random.normal(ks[5], (HD, HD), dtype=jnp.float32) * (1.0 / np.sqrt(HD))
    b2 = jax.random.normal(ks[6], (HD,), dtype=jnp.float32) * 0.01
    W3 = jax.random.normal(ks[7], (1, HD), dtype=jnp.float32) * (1.0 / np.sqrt(HD))
    b3 = jax.random.normal(ks[8], (1,), dtype=jnp.float32) * 0.01
    return {"edge_index": edge_index, "r_ij": r_ij, "v": v,
            "W1": W1, "b1": b1, "W2": W2, "b2": b2, "W3": W3, "b3": b3}


def _teacher(x, W1, b1, W2, b2, W3, b3):
    x = x @ W1.T + b1
    x = jax.nn.silu(x)
    x = x @ W2.T + b2
    x = jax.nn.silu(x)
    x = x @ W3.T + b3
    return x


def _scatter_mean(vals, idx, num_segments):
    s = jax.ops.segment_sum(vals, idx, num_segments=num_segments)
    cnt = jax.ops.segment_sum(jnp.ones((idx.shape[0], 1), vals.dtype), idx,
                              num_segments=num_segments)
    return s / jnp.clip(cnt, 1.0)


def reference(edge_index, r_ij, v, W1, b1, W2, b2, W3, b3):
    n = v.shape[0]
    i = edge_index[0]
    j = edge_index[1]
    v_ij = v[i] - v[j]
    r_ = jnp.sqrt(jnp.sum(r_ij * r_ij, axis=-1, keepdims=True))
    inp_i = jnp.concatenate([r_ / H_SMOOTH, v_ij], axis=-1)
    inp_j = jnp.concatenate([r_ / H_SMOOTH, -v_ij], axis=-1)
    t_i = _teacher(inp_i, W1, b1, W2, b2, W3, b3)
    t_j = _teacher(inp_j, W1, b1, W2, b2, W3, b3)
    S = _scatter_mean(t_i, i, n) + _scatter_mean(t_j, j, n)
    return S

if __name__ == "__main__":
    import jax
    _d = setup_inputs()
    print(jax.jit(kernel)(*tuple(_d.values())))

</pallas_src>

<mosaic_0001>
#map = affine_map<(d0, d1) -> (0)>
module attributes {stable_mosaic.version = 14 : i64} {
  func.func @_sc_scatter_body(%arg0: i32, %arg1: i32, %arg2: memref<1638400xf32, #tpu.memory_space<hbm>>, %arg3: memref<1638400xf32, #tpu.memory_space<hbm>>, %arg4: memref<1638400xi32, #tpu.memory_space<hbm>>, %arg5: memref<1638400xi32, #tpu.memory_space<hbm>>, %arg6: memref<50000xf32, #tpu.memory_space<hbm>>, %arg7: memref<2048xi32, #tpu.memory_space<vmem>>, %arg8: memref<2048xi32, #tpu.memory_space<vmem>>, %arg9: memref<2048xf32, #tpu.memory_space<vmem>>, %arg10: memref<2048xf32, #tpu.memory_space<vmem>>, %arg11: memref<2048xi32, #tpu.memory_space<vmem>>, %arg12: memref<2048xi32, #tpu.memory_space<vmem>>, %arg13: memref<2048xf32, #tpu.memory_space<vmem>>, %arg14: memref<2048xf32, #tpu.memory_space<vmem>>, %arg15: memref<2048xf32, #tpu.memory_space<vmem>>, %arg16: memref<1600xf32, #tpu.memory_space<vmem>>, %arg17: memref<1600xf32, #tpu.memory_space<vmem>>, %arg18: memref<1600xf32, #tpu.memory_space<vmem>>, %arg19: memref<1600xf32, #tpu.memory_space<vmem>>, %arg20: memref<1600xf32, #tpu.memory_space<vmem>>, %arg21: memref<1600xf32, #tpu.memory_space<vmem>>, %arg22: memref<25600xf32, #tpu.memory_space<vmem_shared>>, %arg23: memref<25600xf32, #tpu.memory_space<vmem_shared>>, %arg24: memref<25600xf32, #tpu.memory_space<vmem_shared>>, %arg25: memref<25600xf32, #tpu.memory_space<vmem_shared>>, %arg26: memref<!tpu.dma_semaphore, #tpu.memory_space<semaphore_mem>>, %arg27: memref<!tpu.dma_semaphore, #tpu.memory_space<semaphore_mem>>, %arg28: memref<!tpu.dma_semaphore, #tpu.memory_space<semaphore_mem>>) attributes {dimension_semantics = [#tpu.dimension_semantics<core_parallel>, #tpu.dimension_semantics<subcore_parallel>], iteration_bounds = array<i64: 2, 16>, scalar_prefetch = 0 : i64, scratch_operands = 22 : i64, tpu.core_type = #tpu.core_type<sc_vector_subcore>, window_params = [{transform_indices = #map}, {transform_indices = #map}, {transform_indices = #map}, {transform_indices = #map}, {transform_indices = #map}]} {
    %mul3A = arith.constant 25000 : i32
    %mul3A_0 = arith.muli %arg0, %mul3A : i32
    %mul3A_1 = arith.constant 102400 : i32
    %mul3A_2 = arith.muli %arg1, %mul3A_1 : i32
    %scan3A = arith.constant 0 : i32
    %scan3A_3 = arith.constant 0 : i32
    %scan3A_4 = arith.constant 128 : i32
    %scan3A_5 = arith.addi %scan3A_3, %scan3A_4 : i32
    %scan3A_6 = arith.constant 1 : i32
    scf.for %scan3A_59 = %scan3A_3 to %scan3A_5 step %scan3A_6  : i32 {
      %broadcast_in_dim3A = arith.constant 1.000000e+00 : f32
      %broadcast_in_dim3A_60 = vector.broadcast %broadcast_in_dim3A : f32 to vector<16xf32>
      %mul3A_61 = arith.constant 16 : i32
      %mul3A_62 = arith.muli %scan3A_59, %mul3A_61 : i32
      %swap3A = arith.index_cast %mul3A_62 : i32 to index
      %swap3A_63 = tpu.vector_load %arg15[%swap3A] {strides = array<i32>} : memref<2048xf32, #tpu.memory_space<vmem>>, vector<16xf32>,
      %swap3A_64 = vector.shape_cast %swap3A_63 : vector<16xf32> to vector<16xf32>
      %swap3A_65 = vector.shape_cast %broadcast_in_dim3A_60 : vector<16xf32> to vector<16xf32>
      tpu.vector_store %arg15[%swap3A], %swap3A_65 {strides = array<i32>} : memref<2048xf32, #tpu.memory_space<vmem>>, vector<16xf32>,
    }
    %scan3A_7 = arith.constant 128 : i32
    %scan3A_8 = arith.constant 0 : i32
    %scan3A_9 = arith.constant 0 : i32
    %scan3A_10 = arith.constant 100 : i32
    %scan3A_11 = arith.addi %scan3A_9, %scan3A_10 : i32
    %scan3A_12 = arith.constant 1 : i32
    scf.for %scan3A_59 = %scan3A_9 to %scan3A_11 step %scan3A_12  : i32 {
      %broadcast_in_dim3A = arith.constant 0.000000e+00 : f32
      %broadcast_in_dim3A_60 = vector.broadcast %broadcast_in_dim3A : f32 to vector<16xf32>
      %mul3A_61 = arith.constant 16 : i32
      %mul3A_62 = arith.muli %scan3A_59, %mul3A_61 : i32
      %swap3A = arith.index_cast %mul3A_62 : i32 to index
      %swap3A_63 = tpu.vector_load %arg16[%swap3A] {strides = array<i32>} : memref<1600xf32, #tpu.memory_space<vmem>>, vector<16xf32>,
      %swap3A_64 = vector.shape_cast %swap3A_63 : vector<16xf32> to vector<16xf32>
      %swap3A_65 = vector.shape_cast %broadcast_in_dim3A_60 : vector<16xf32> to vector<16xf32>
      tpu.vector_store %arg16[%swap3A], %swap3A_65 {strides = array<i32>} : memref<1600xf32, #tpu.memory_space<vmem>>, vector<16xf32>,
    }
    %scan3A_13 = arith.constant 100 : i32
    %mul3A_14 = arith.constant 1600 : i32
    %mul3A_15 = arith.muli %arg1, %mul3A_14 : i32
    "tpu.region"() ({
      %run_scoped3A = tpu.sem_alloc : memref<!tpu.dma_semaphore, #tpu.memory_space<semaphore_mem>>
      %dma_start3A_59 = tpu.memref_slice %arg22[%mul3A_15] : memref<25600xf32, #tpu.memory_space<vmem_shared>> -> memref<1600xf32, #tpu.memory_space<vmem_shared>>
      %dma_start3A_60 = tpu.memref_slice %arg22[%mul3A_15] : memref<25600xf32, #tpu.memory_space<vmem_shared>> -> memref<1600xf32, #tpu.memory_space<vmem_shared>>
      tpu.enqueue_dma source(%arg16 : memref<1600xf32, #tpu.memory_space<vmem>>) target(%dma_start3A_60 : memref<1600xf32, #tpu.memory_space<vmem_shared>>) target_semaphore(%run_scoped3A : memref<!tpu.dma_semaphore, #tpu.memory_space<semaphore_mem>>)
      %dma_wait3A_61 = tpu.memref_slice %arg22[%mul3A_15] : memref<25600xf32, #tpu.memory_space<vmem_shared>> -> memref<1600xf32, #tpu.memory_space<vmem_shared>>
      %dma_wait3A_62 = tpu.memref_slice %arg22[%mul3A_15] : memref<25600xf32, #tpu.memory_space<vmem_shared>> -> memref<1600xf32, #tpu.memory_space<vmem_shared>>
      tpu.wait_dma2 semaphore(%run_scoped3A : memref<!tpu.dma_semaphore, #tpu.memory_space<semaphore_mem>>) src(%arg16 : memref<1600xf32, #tpu.memory_space<vmem>>) dst(%dma_wait3A_62 : memref<1600xf32, #tpu.memory_space<vmem_shared>>)
      tpu.yield
    }) : () -> ()
    %mul3A_16 = arith.constant 1600 : i32
    %mul3A_17 = arith.muli %arg1, %mul3A_16 : i32
    "tpu.region"() ({
      %run_scoped3A = tpu.sem_alloc : memref<!tpu.dma_semaphore, #tpu.memory_space<semaphore_mem>>
      %dma_start3A_59 = tpu.memref_slice %arg23[%mul3A_17] : memref<25600xf32, #tpu.memory_space<vmem_shared>> -> memref<1600xf32, #tpu.memory_space<vmem_shared>>
      %dma_start3A_60 = tpu.memref_slice %arg23[%mul3A_17] : memref<25600xf32, #tpu.memory_space<vmem_shared>> -> memref<1600xf32, #tpu.memory_space<vmem_shared>>
      tpu.enqueue_dma source(%arg16 : memref<1600xf32, #tpu.memory_space<vmem>>) target(%dma_start3A_60 : memref<1600xf32, #tpu.memory_space<vmem_shared>>) target_semaphore(%run_scoped3A : memref<!tpu.dma_semaphore, #tpu.memory_space<semaphore_mem>>)
      %dma_wait3A_61 = tpu.memref_slice %arg23[%mul3A_17] : memref<25600xf32, #tpu.memory_space<vmem_shared>> -> memref<1600xf32, #tpu.memory_space<vmem_shared>>
      %dma_wait3A_62 = tpu.memref_slice %arg23[%mul3A_17] : memref<25600xf32, #tpu.memory_space<vmem_shared>> -> memref<1600xf32, #tpu.memory_space<vmem_shared>>
      tpu.wait_dma2 semaphore(%run_scoped3A : memref<!tpu.dma_semaphore, #tpu.memory_space<semaphore_mem>>) src(%arg16 : memref<1600xf32, #tpu.memory_space<vmem>>) dst(%dma_wait3A_62 : memref<1600xf32, #tpu.memory_space<vmem_shared>>)
      tpu.yield
    }) : () -> ()
    %mul3A_18 = arith.constant 1600 : i32
    %mul3A_19 = arith.muli %arg1, %mul3A_18 : i32
    "tpu.region"() ({
      %run_scoped3A = tpu.sem_alloc : memref<!tpu.dma_semaphore, #tpu.memory_space<semaphore_mem>>
      %dma_start3A_59 = tpu.memref_slice %arg24[%mul3A_19] : memref<25600xf32, #tpu.memory_space<vmem_shared>> -> memref<1600xf32, #tpu.memory_space<vmem_shared>>
      %dma_start3A_60 = tpu.memref_slice %arg24[%mul3A_19] : memref<25600xf32, #tpu.memory_space<vmem_shared>> -> memref<1600xf32, #tpu.memory_space<vmem_shared>>
      tpu.enqueue_dma source(%arg16 : memref<1600xf32, #tpu.memory_space<vmem>>) target(%dma_start3A_60 : memref<1600xf32, #tpu.memory_space<vmem_shared>>) target_semaphore(%run_scoped3A : memref<!tpu.dma_semaphore, #tpu.memory_space<semaphore_mem>>)
      %dma_wait3A_61 = tpu.memref_slice %arg24[%mul3A_19] : memref<25600xf32, #tpu.memory_space<vmem_shared>> -> memref<1600xf32, #tpu.memory_space<vmem_shared>>
      %dma_wait3A_62 = tpu.memref_slice %arg24[%mul3A_19] : memref<25600xf32, #tpu.memory_space<vmem_shared>> -> memref<1600xf32, #tpu.memory_space<vmem_shared>>
      tpu.wait_dma2 semaphore(%run_scoped3A : memref<!tpu.dma_semaphore, #tpu.memory_space<semaphore_mem>>) src(%arg16 : memref<1600xf32, #tpu.memory_space<vmem>>) dst(%dma_wait3A_62 : memref<1600xf32, #tpu.memory_space<vmem_shared>>)
      tpu.yield
    }) : () -> ()
    %mul3A_20 = arith.constant 1600 : i32
    %mul3A_21 = arith.muli %arg1, %mul3A_20 : i32
    "tpu.region"() ({
      %run_scoped3A = tpu.sem_alloc : memref<!tpu.dma_semaphore, #tpu.memory_space<semaphore_mem>>
      %dma_start3A_59 = tpu.memref_slice %arg25[%mul3A_21] : memref<25600xf32, #tpu.memory_space<vmem_shared>> -> memref<1600xf32, #tpu.memory_space<vmem_shared>>
      %dma_start3A_60 = tpu.memref_slice %arg25[%mul3A_21] : memref<25600xf32, #tpu.memory_space<vmem_shared>> -> memref<1600xf32, #tpu.memory_space<vmem_shared>>
      tpu.enqueue_dma source(%arg16 : memref<1600xf32, #tpu.memory_space<vmem>>) target(%dma_start3A_60 : memref<1600xf32, #tpu.memory_space<vmem_shared>>) target_semaphore(%run_scoped3A : memref<!tpu.dma_semaphore, #tpu.memory_space<semaphore_mem>>)
      %dma_wait3A_61 = tpu.memref_slice %arg25[%mul3A_21] : memref<25600xf32, #tpu.memory_space<vmem_shared>> -> memref<1600xf32, #tpu.memory_space<vmem_shared>>
      %dma_wait3A_62 = tpu.memref_slice %arg25[%mul3A_21] : memref<25600xf32, #tpu.memory_space<vmem_shared>> -> memref<1600xf32, #tpu.memory_space<vmem_shared>>
      tpu.wait_dma2 semaphore(%run_scoped3A : memref<!tpu.dma_semaphore, #tpu.memory_space<semaphore_mem>>) src(%arg16 : memref<1600xf32, #tpu.memory_space<vmem>>) dst(%dma_wait3A_62 : memref<1600xf32, #tpu.memory_space<vmem_shared>>)
      tpu.yield
    }) : () -> ()
    %barrier3A = arith.constant 0 : index
    tpu.barrier barrier_id(%barrier3A)
    %add3A = arith.constant 0 : i32
    %add3A_22 = arith.addi %mul3A_2, %add3A : i32
    %dma_start3A = tpu.memref_slice %arg4[%add3A_22] : memref<1638400xi32, #tpu.memory_space<hbm>> -> memref<2048xi32, #tpu.memory_space<hbm>>
    %dma_start3A_23 = tpu.memref_slice %arg4[%add3A_22] : memref<1638400xi32, #tpu.memory_space<hbm>> -> memref<2048xi32, #tpu.memory_space<hbm>>
    tpu.enqueue_dma source(%dma_start3A_23 : memref<2048xi32, #tpu.memory_space<hbm>>) target(%arg7 : memref<2048xi32, #tpu.memory_space<vmem>>) target_semaphore(%arg26 : memref<!tpu.dma_semaphore, #tpu.memory_space<semaphore_mem>>)
    %dma_start3A_24 = tpu.memref_slice %arg2[%add3A_22] : memref<1638400xf32, #tpu.memory_space<hbm>> -> memref<2048xf32, #tpu.memory_space<hbm>>
    %dma_start3A_25 = tpu.memref_slice %arg2[%add3A_22] : memref<1638400xf32, #tpu.memory_space<hbm>> -> memref<2048xf32, #tpu.memory_space<hbm>>
    tpu.enqueue_dma source(%dma_start3A_25 : memref<2048xf32, #tpu.memory_space<hbm>>) target(%arg9 : memref<2048xf32, #tpu.memory_space<vmem>>) target_semaphore(%arg26 : memref<!tpu.dma_semaphore, #tpu.memory_space<semaphore_mem>>)
    %dma_start3A_26 = tpu.memref_slice %arg5[%add3A_22] : memref<1638400xi32, #tpu.memory_space<hbm>> -> memref<2048xi32, #tpu.memory_space<hbm>>
    %dma_start3A_27 = tpu.memref_slice %arg5[%add3A_22] : memref<1638400xi32, #tpu.memory_space<hbm>> -> memref<2048xi32, #tpu.memory_space<hbm>>
    tpu.enqueue_dma source(%dma_start3A_27 : memref<2048xi32, #tpu.memory_space<hbm>>) target(%arg11 : memref<2048xi32, #tpu.memory_space<vmem>>) target_semaphore(%arg26 : memref<!tpu.dma_semaphore, #tpu.memory_space<semaphore_mem>>)
    %dma_start3A_28 = tpu.memref_slice %arg3[%add3A_22] : memref<1638400xf32, #tpu.memory_space<hbm>> -> memref<2048xf32, #tpu.memory_space<hbm>>
    %dma_start3A_29 = tpu.memref_slice %arg3[%add3A_22] : memref<1638400xf32, #tpu.memory_space<hbm>> -> memref<2048xf32, #tpu.memory_space<hbm>>
    tpu.enqueue_dma source(%dma_start3A_29 : memref<2048xf32, #tpu.memory_space<hbm>>) target(%arg13 : memref<2048xf32, #tpu.memory_space<vmem>>) target_semaphore(%arg26 : memref<!tpu.dma_semaphore, #tpu.memory_space<semaphore_mem>>)
    %scan3A_30 = arith.constant 0 : i32
    %scan3A_31 = arith.constant 0 : i32
    %scan3A_32 = arith.constant 25 : i32
    %scan3A_33 = arith.addi %scan3A_31, %scan3A_32 : i32
    %scan3A_34 = arith.constant 1 : i32
    scf.for %scan3A_59 = %scan3A_31 to %scan3A_33 step %scan3A_34  : i32 {
      %mul3A_60 = arith.constant 2 : i32
      %mul3A_61 = arith.muli %scan3A_59, %mul3A_60 : i32
      %add3A_62 = arith.constant 0 : i32
      %add3A_63 = arith.addi %mul3A_61, %add3A_62 : i32
      %dma_wait3A_64 = arith.constant 0 : i32
      %dma_wait3A_65 = tpu.memref_slice %arg4[%dma_wait3A_64] : memref<1638400xi32, #tpu.memory_space<hbm>> -> memref<2048xi32, #tpu.memory_space<hbm>>
      %dma_wait3A_66 = arith.constant 0 : i32
      %dma_wait3A_67 = tpu.memref_slice %arg4[%dma_wait3A_66] : memref<1638400xi32, #tpu.memory_space<hbm>> -> memref<2048xi32, #tpu.memory_space<hbm>>
      tpu.wait_dma2 semaphore(%arg26 : memref<!tpu.dma_semaphore, #tpu.memory_space<semaphore_mem>>) src(%dma_wait3A_67 : memref<2048xi32, #tpu.memory_space<hbm>>) dst(%arg7 : memref<2048xi32, #tpu.memory_space<vmem>>)
      %dma_wait3A_68 = arith.constant 0 : i32
      %dma_wait3A_69 = tpu.memref_slice %arg2[%dma_wait3A_68] : memref<1638400xf32, #tpu.memory_space<hbm>> -> memref<2048xf32, #tpu.memory_space<hbm>>
      %dma_wait3A_70 = arith.constant 0 : i32
      %dma_wait3A_71 = tpu.memref_slice %arg2[%dma_wait3A_70] : memref<1638400xf32, #tpu.memory_space<hbm>> -> memref<2048xf32, #tpu.memory_space<hbm>>
      tpu.wait_dma2 semaphore(%arg26 : memref<!tpu.dma_semaphore, #tpu.memory_space<semaphore_mem>>) src(%dma_wait3A_71 : memref<2048xf32, #tpu.memory_space<hbm>>) dst(%arg9 : memref<2048xf32, #tpu.memory_space<vmem>>)
      %dma_wait3A_72 = arith.constant 0 : i32
      %dma_wait3A_73 = tpu.memref_slice %arg5[%dma_wait3A_72] : memref<1638400xi32, #tpu.memory_space<hbm>> -> memref<2048xi32, #tpu.memory_space<hbm>>
      %dma_wait3A_74 = arith.constant 0 : i32
      %dma_wait3A_75 = tpu.memref_slice %arg5[%dma_wait3A_74] : memref<1638400xi32, #tpu.memory_space<hbm>> -> memref<2048xi32, #tpu.memory_space<hbm>>
      tpu.wait_dma2 semaphore(%arg26 : memref<!tpu.dma_semaphore, #tpu.memory_space<semaphore_mem>>) src(%dma_wait3A_75 : memref<2048xi32, #tpu.memory_space<hbm>>) dst(%arg11 : memref<2048xi32, #tpu.memory_space<vmem>>)
      %dma_wait3A_76 = arith.constant 0 : i32
      %dma_wait3A_77 = tpu.memref_slice %arg3[%dma_wait3A_76] : memref<1638400xf32, #tpu.memory_space<hbm>> -> memref<2048xf32, #tpu.memory_space<hbm>>
      %dma_wait3A_78 = arith.constant 0 : i32
      %dma_wait3A_79 = tpu.memref_slice %arg3[%dma_wait3A_78] : memref<1638400xf32, #tpu.memory_space<hbm>> -> memref<2048xf32, #tpu.memory_space<hbm>>
      tpu.wait_dma2 semaphore(%arg26 : memref<!tpu.dma_semaphore, #tpu.memory_space<semaphore_mem>>) src(%dma_wait3A_79 : memref<2048xf32, #tpu.memory_space<hbm>>) dst(%arg13 : memref<2048xf32, #tpu.memory_space<vmem>>)
      %scan3A_80 = arith.constant 0 : i32
      %scan3A_81 = arith.constant 0 : i32
      %scan3A_82 = arith.constant 128 : i32
      %scan3A_83 = arith.addi %scan3A_81, %scan3A_82 : i32
      %scan3A_84 = arith.constant 1 : i32
      scf.for %scan3A_147 = %scan3A_81 to %scan3A_83 step %scan3A_84  : i32 {
        %mul3A_148 = arith.constant 16 : i32
        %mul3A_149 = arith.muli %scan3A_147, %mul3A_148 : i32
        %get3A = arith.index_cast %mul3A_149 : i32 to index
        %get3A_150 = tpu.vector_load %arg7[%get3A] {strides = array<i32>} : memref<2048xi32, #tpu.memory_space<vmem>>, vector<16xi32>,
        %get3A_151 = vector.shape_cast %get3A_150 : vector<16xi32> to vector<16xi32>
        %sub3A = vector.broadcast %mul3A_0 : i32 to vector<16xi32>
        %sub3A_152 = arith.subi %get3A_151, %sub3A : vector<16xi32>
        %ge3A_153 = arith.constant 0 : i32
        %ge3A_154 = vector.broadcast %ge3A_153 : i32 to vector<16xi32>
        %ge3A_155 = arith.cmpi sge, %sub3A_152, %ge3A_154 : vector<16xi32>
        %lt3A_156 = arith.constant 25000 : i32
        %lt3A_157 = vector.broadcast %lt3A_156 : i32 to vector<16xi32>
        %lt3A_158 = arith.cmpi slt, %sub3A_152, %lt3A_157 : vector<16xi32>
        %and3A = arith.andi %ge3A_155, %lt3A_158 : vector<16xi1>
        %jit3A = arith.constant 25000 : i32
        %broadcast_in_dim3A = vector.broadcast %jit3A : i32 to vector<16xi32>
        %select_n3A = arith.select %and3A, %sub3A_152, %broadcast_in_dim3A : vector<16xi1>, vector<16xi32>
        %swap3A = arith.index_cast %mul3A_149 : i32 to index
        %swap3A_159 = tpu.vector_load %arg7[%swap3A] {strides = array<i32>} : memref<2048xi32, #tpu.memory_space<vmem>>, vector<16xi32>,
        %swap3A_160 = vector.shape_cast %swap3A_159 : vector<16xi32> to vector<16xi32>
        %swap3A_161 = vector.shape_cast %select_n3A : vector<16xi32> to vector<16xi32>
        tpu.vector_store %arg7[%swap3A], %swap3A_161 {strides = array<i32>} : memref<2048xi32, #tpu.memory_space<vmem>>, vector<16xi32>,
        %get3A_162 = arith.index_cast %mul3A_149 : i32 to index
        %get3A_163 = tpu.vector_load %arg11[%get3A_162] {strides = array<i32>} : memref<2048xi32, #tpu.memory_space<vmem>>, vector<16xi32>,
        %get3A_164 = vector.shape_cast %get3A_163 : vector<16xi32> to vector<16xi32>
        %sub3A_165 = vector.broadcast %mul3A_0 : i32 to vector<16xi32>
        %sub3A_166 = arith.subi %get3A_164, %sub3A_165 : vector<16xi32>
        %ge3A_167 = arith.constant 0 : i32
        %ge3A_168 = vector.broadcast %ge3A_167 : i32 to vector<16xi32>
        %ge3A_169 = arith.cmpi sge, %sub3A_166, %ge3A_168 : vector<16xi32>
        %lt3A_170 = arith.constant 25000 : i32
        %lt3A_171 = vector.broadcast %lt3A_170 : i32 to vector<16xi32>
        %lt3A_172 = arith.cmpi slt, %sub3A_166, %lt3A_171 : vector<16xi32>
        %and3A_173 = arith.andi %ge3A_169, %lt3A_172 : vector<16xi1>
        %jit3A_174 = arith.constant 25000 : i32
        %broadcast_in_dim3A_175 = vector.broadcast %jit3A_174 : i32 to vector<16xi32>
        %select_n3A_176 = arith.select %and3A_173, %sub3A_166, %broadcast_in_dim3A_175 : vector<16xi1>, vector<16xi32>
        %swap3A_177 = arith.index_cast %mul3A_149 : i32 to index
        %swap3A_178 = tpu.vector_load %arg11[%swap3A_177] {strides = array<i32>} : memref<2048xi32, #tpu.memory_space<vmem>>, vector<16xi32>,
        %swap3A_179 = vector.shape_cast %swap3A_178 : vector<16xi32> to vector<16xi32>
        %swap3A_180 = vector.shape_cast %select_n3A_176 : vector<16xi32> to vector<16xi32>
        tpu.vector_store %arg11[%swap3A_177], %swap3A_180 {strides = array<i32>} : memref<2048xi32, #tpu.memory_space<vmem>>, vector<16xi32>,
      }
      %scan3A_85 = arith.constant 128 : i32
      %ge3A = arith.constant 1 : i32
      %ge3A_86 = arith.cmpi sge, %add3A_63, %ge3A : i32
      %convert_element_type3A_87 = arith.extui %ge3A_86 : i1 to i32
      %cond3A_88 = arith.constant 0 : i32
      %cond3A_89 = arith.cmpi ne, %convert_element_type3A_87, %cond3A_88 : i32
      scf.if %cond3A_89 {
        %dma_wait3A_147 = arith.constant 0 : i32
        %dma_wait3A_148 = tpu.memref_slice %arg22[%dma_wait3A_147] : memref<25600xf32, #tpu.memory_space<vmem_shared>> -> memref<25600xf32, #tpu.memory_space<vmem_shared>>
        tpu.wait_indirect_dma semaphore(%arg28 : memref<!tpu.dma_semaphore, #tpu.memory_space<semaphore_mem>>) src(%arg10 : memref<2048xf32, #tpu.memory_space<vmem>>) dst(%dma_wait3A_148 : memref<25600xf32, #tpu.memory_space<vmem_shared>>)
        %dma_wait3A_149 = arith.constant 0 : i32
        %dma_wait3A_150 = tpu.memref_slice %arg23[%dma_wait3A_149] : memref<25600xf32, #tpu.memory_space<vmem_shared>> -> memref<25600xf32, #tpu.memory_space<vmem_shared>>
        tpu.wait_indirect_dma semaphore(%arg28 : memref<!tpu.dma_semaphore, #tpu.memory_space<semaphore_mem>>) src(%arg15 : memref<2048xf32, #tpu.memory_space<vmem>>) dst(%dma_wait3A_150 : memref<25600xf32, #tpu.memory_space<vmem_shared>>)
        %dma_wait3A_151 = arith.constant 0 : i32
        %dma_wait3A_152 = tpu.memref_slice %arg24[%dma_wait3A_151] : memref<25600xf32, #tpu.memory_space<vmem_shared>> -> memref<25600xf32, #tpu.memory_space<vmem_shared>>
        tpu.wait_indirect_dma semaphore(%arg28 : memref<!tpu.dma_semaphore, #tpu.memory_space<semaphore_mem>>) src(%arg14 : memref<2048xf32, #tpu.memory_space<vmem>>) dst(%dma_wait3A_152 : memref<25600xf32, #tpu.memory_space<vmem_shared>>)
        %dma_wait3A_153 = arith.constant 0 : i32
        %dma_wait3A_154 = tpu.memref_slice %arg25[%dma_wait3A_153] : memref<25600xf32, #tpu.memory_space<vmem_shared>> -> memref<25600xf32, #tpu.memory_space<vmem_shared>>
        tpu.wait_indirect_dma semaphore(%arg28 : memref<!tpu.dma_semaphore, #tpu.memory_space<semaphore_mem>>) src(%arg15 : memref<2048xf32, #tpu.memory_space<vmem>>) dst(%dma_wait3A_154 : memref<25600xf32, #tpu.memory_space<vmem_shared>>)
      } else {
      }
      %dma_start3A_90 = arith.constant 0 : i32
      %dma_start3A_91 = tpu.memref_slice %arg22[%dma_start3A_90] : memref<25600xf32, #tpu.memory_space<vmem_shared>> -> memref<25600xf32, #tpu.memory_space<vmem_shared>>
      tpu.enqueue_indirect_dma source(%arg9 : memref<2048xf32, #tpu.memory_space<vmem>>) target(%dma_start3A_91 : memref<25600xf32, #tpu.memory_space<vmem_shared>>) offsets(%arg7 : memref<2048xi32, #tpu.memory_space<vmem>>) semaphore(%arg28 : memref<!tpu.dma_semaphore, #tpu.memory_space<semaphore_mem>>) {add = true}
      %dma_start3A_92 = arith.constant 0 : i32
      %dma_start3A_93 = tpu.memref_slice %arg23[%dma_start3A_92] : memref<25600xf32, #tpu.memory_space<vmem_shared>> -> memref<25600xf32, #tpu.memory_space<vmem_shared>>
      tpu.enqueue_indirect_dma source(%arg15 : memref<2048xf32, #tpu.memory_space<vmem>>) target(%dma_start3A_93 : memref<25600xf32, #tpu.memory_space<vmem_shared>>) offsets(%arg7 : memref<2048xi32, #tpu.memory_space<vmem>>) semaphore(%arg28 : memref<!tpu.dma_semaphore, #tpu.memory_space<semaphore_mem>>) {add = true}
      %dma_start3A_94 = arith.constant 0 : i32
      %dma_start3A_95 = tpu.memref_slice %arg24[%dma_start3A_94] : memref<25600xf32, #tpu.memory_space<vmem_shared>> -> memref<25600xf32, #tpu.memory_space<vmem_shared>>
      tpu.enqueue_indirect_dma source(%arg13 : memref<2048xf32, #tpu.memory_space<vmem>>) target(%dma_start3A_95 : memref<25600xf32, #tpu.memory_space<vmem_shared>>) offsets(%arg11 : memref<2048xi32, #tpu.memory_space<vmem>>) semaphore(%arg28 : memref<!tpu.dma_semaphore, #tpu.memory_space<semaphore_mem>>) {add = true}
      %dma_start3A_96 = arith.constant 0 : i32
      %dma_start3A_97 = tpu.memref_slice %arg25[%dma_start3A_96] : memref<25600xf32, #tpu.memory_space<vmem_shared>> -> memref<25600xf32, #tpu.memory_space<vmem_shared>>
      tpu.enqueue_indirect_dma source(%arg15 : memref<2048xf32, #tpu.memory_space<vmem>>) target(%dma_start3A_97 : memref<25600xf32, #tpu.memory_space<vmem_shared>>) offsets(%arg11 : memref<2048xi32, #tpu.memory_space<vmem>>) semaphore(%arg28 : memref<!tpu.dma_semaphore, #tpu.memory_space<semaphore_mem>>) {add = true}
      %lt3A_98 = arith.constant 49 : i32
      %lt3A_99 = arith.cmpi slt, %add3A_63, %lt3A_98 : i32
      %convert_element_type3A_100 = arith.extui %lt3A_99 : i1 to i32
      %cond3A_101 = arith.constant 0 : i32
      %cond3A_102 = arith.cmpi ne, %convert_element_type3A_100, %cond3A_101 : i32
      scf.if %cond3A_102 {
        %add3A_147 = arith.constant 1 : i32
        %add3A_148 = arith.addi %add3A_63, %add3A_147 : i32
        %mul3A_149 = arith.constant 2048 : i32
        %mul3A_150 = arith.muli %add3A_148, %mul3A_149 : i32
        %add3A_151 = arith.addi %mul3A_2, %mul3A_150 : i32
        %dma_start3A_152 = tpu.memref_slice %arg4[%add3A_151] : memref<1638400xi32, #tpu.memory_space<hbm>> -> memref<2048xi32, #tpu.memory_space<hbm>>
        %dma_start3A_153 = tpu.memref_slice %arg4[%add3A_151] : memref<1638400xi32, #tpu.memory_space<hbm>> -> memref<2048xi32, #tpu.memory_space<hbm>>
        tpu.enqueue_dma source(%dma_start3A_153 : memref<2048xi32, #tpu.memory_space<hbm>>) target(%arg8 : memref<2048xi32, #tpu.memory_space<vmem>>) target_semaphore(%arg27 : memref<!tpu.dma_semaphore, #tpu.memory_space<semaphore_mem>>)
        %dma_start3A_154 = tpu.memref_slice %arg2[%add3A_151] : memref<1638400xf32, #tpu.memory_space<hbm>> -> memref<2048xf32, #tpu.memory_space<hbm>>
        %dma_start3A_155 = tpu.memref_slice %arg2[%add3A_151] : memref<1638400xf32, #tpu.memory_space<hbm>> -> memref<2048xf32, #tpu.memory_space<hbm>>
        tpu.enqueue_dma source(%dma_start3A_155 : memref<2048xf32, #tpu.memory_space<hbm>>) target(%arg10 : memref<2048xf32, #tpu.memory_space<vmem>>) target_semaphore(%arg27 : memref<!tpu.dma_semaphore, #tpu.memory_space<semaphore_mem>>)
        %dma_start3A_156 = tpu.memref_slice %arg5[%add3A_151] : memref<1638400xi32, #tpu.memory_space<hbm>> -> memref<2048xi32, #tpu.memory_space<hbm>>
        %dma_start3A_157 = tpu.memref_slice %arg5[%add3A_151] : memref<1638400xi32, #tpu.memory_space<hbm>> -> memref<2048xi32, #tpu.memory_space<hbm>>
        tpu.enqueue_dma source(%dma_start3A_157 : memref<2048xi32, #tpu.memory_space<hbm>>) target(%arg12 : memref<2048xi32, #tpu.memory_space<vmem>>) target_semaphore(%arg27 : memref<!tpu.dma_semaphore, #tpu.memory_space<semaphore_mem>>)
        %dma_start3A_158 = tpu.memref_slice %arg3[%add3A_151] : memref<1638400xf32, #tpu.memory_space<hbm>> -> memref<2048xf32, #tpu.memory_space<hbm>>
        %dma_start3A_159 = tpu.memref_slice %arg3[%add3A_151] : memref<1638400xf32, #tpu.memory_space<hbm>> -> memref<2048xf32, #tpu.memory_space<hbm>>
        tpu.enqueue_dma source(%dma_start3A_159 : memref<2048xf32, #tpu.memory_space<hbm>>) target(%arg14 : memref<2048xf32, #tpu.memory_space<vmem>>) target_semaphore(%arg27 : memref<!tpu.dma_semaphore, #tpu.memory_space<semaphore_mem>>)
      } else {
      }
      %mul3A_103 = arith.constant 2 : i32
      %mul3A_104 = arith.muli %scan3A_59, %mul3A_103 : i32
      %add3A_105 = arith.constant 1 : i32
      %add3A_106 = arith.addi %mul3A_104, %add3A_105 : i32
      %dma_wait3A_107 = arith.constant 0 : i32
      %dma_wait3A_108 = tpu.memref_slice %arg4[%dma_wait3A_107] : memref<1638400xi32, #tpu.memory_space<hbm>> -> memref<2048xi32, #tpu.memory_space<hbm>>
      %dma_wait3A_109 = arith.constant 0 : i32
      %dma_wait3A_110 = tpu.memref_slice %arg4[%dma_wait3A_109] : memref<1638400xi32, #tpu.memory_space<hbm>> -> memref<2048xi32, #tpu.memory_space<hbm>>
      tpu.wait_dma2 semaphore(%arg27 : memref<!tpu.dma_semaphore, #tpu.memory_space<semaphore_mem>>) src(%dma_wait3A_110 : memref<2048xi32, #tpu.memory_space<hbm>>) dst(%arg8 : memref<2048xi32, #tpu.memory_space<vmem>>)
      %dma_wait3A_111 = arith.constant 0 : i32
      %dma_wait3A_112 = tpu.memref_slice %arg2[%dma_wait3A_111] : memref<1638400xf32, #tpu.memory_space<hbm>> -> memref<2048xf32, #tpu.memory_space<hbm>>
      %dma_wait3A_113 = arith.constant 0 : i32
      %dma_wait3A_114 = tpu.memref_slice %arg2[%dma_wait3A_113] : memref<1638400xf32, #tpu.memory_space<hbm>> -> memref<2048xf32, #tpu.memory_space<hbm>>
      tpu.wait_dma2 semaphore(%arg27 : memref<!tpu.dma_semaphore, #tpu.memory_space<semaphore_mem>>) src(%dma_wait3A_114 : memref<2048xf32, #tpu.memory_space<hbm>>) dst(%arg10 : memref<2048xf32, #tpu.memory_space<vmem>>)
      %dma_wait3A_115 = arith.constant 0 : i32
      %dma_wait3A_116 = tpu.memref_slice %arg5[%dma_wait3A_115] : memref<1638400xi32, #tpu.memory_space<hbm>> -> memref<2048xi32, #tpu.memory_space<hbm>>
      %dma_wait3A_117 = arith.constant 0 : i32
      %dma_wait3A_118 = tpu.memref_slice %arg5[%dma_wait3A_117] : memref<1638400xi32, #tpu.memory_space<hbm>> -> memref<2048xi32, #tpu.memory_space<hbm>>
      tpu.wait_dma2 semaphore(%arg27 : memref<!tpu.dma_semaphore, #tpu.memory_space<semaphore_mem>>) src(%dma_wait3A_118 : memref<2048xi32, #tpu.memory_space<hbm>>) dst(%arg12 : memref<2048xi32, #tpu.memory_space<vmem>>)
      %dma_wait3A_119 = arith.constant 0 : i32
      %dma_wait3A_120 = tpu.memref_slice %arg3[%dma_wait3A_119] : memref<1638400xf32, #tpu.memory_space<hbm>> -> memref<2048xf32, #tpu.memory_space<hbm>>
      %dma_wait3A_121 = arith.constant 0 : i32
      %dma_wait3A_122 = tpu.memref_slice %arg3[%dma_wait3A_121] : memref<1638400xf32, #tpu.memory_space<hbm>> -> memref<2048xf32, #tpu.memory_space<hbm>>
      tpu.wait_dma2 semaphore(%arg27 : memref<!tpu.dma_semaphore, #tpu.memory_space<semaphore_mem>>) src(%dma_wait3A_122 : memref<2048xf32, #tpu.memory_space<hbm>>) dst(%arg14 : memref<2048xf32, #tpu.memory_space<vmem>>)
      %scan3A_123 = arith.constant 0 : i32
      %scan3A_124 = arith.constant 0 : i32
      %scan3A_125 = arith.constant 128 : i32
      %scan3A_126 = arith.addi %scan3A_124, %scan3A_125 : i32
      %scan3A_127 = arith.constant 1 : i32
      scf.for %scan3A_147 = %scan3A_124 to %scan3A_126 step %scan3A_127  : i32 {
        %mul3A_148 = arith.constant 16 : i32
        %mul3A_149 = arith.muli %scan3A_147, %mul3A_148 : i32
        %get3A = arith.index_cast %mul3A_149 : i32 to index
        %get3A_150 = tpu.vector_load %arg8[%get3A] {strides = array<i32>} : memref<2048xi32, #tpu.memory_space<vmem>>, vector<16xi32>,
        %get3A_151 = vector.shape_cast %get3A_150 : vector<16xi32> to vector<16xi32>
        %sub3A = vector.broadcast %mul3A_0 : i32 to vector<16xi32>
        %sub3A_152 = arith.subi %get3A_151, %sub3A : vector<16xi32>
        %ge3A_153 = arith.constant 0 : i32
        %ge3A_154 = vector.broadcast %ge3A_153 : i32 to vector<16xi32>
        %ge3A_155 = arith.cmpi sge, %sub3A_152, %ge3A_154 : vector<16xi32>
        %lt3A_156 = arith.constant 25000 : i32
        %lt3A_157 = vector.broadcast %lt3A_156 : i32 to vector<16xi32>
        %lt3A_158 = arith.cmpi slt, %sub3A_152, %lt3A_157 : vector<16xi32>
        %and3A = arith.andi %ge3A_155, %lt3A_158 : vector<16xi1>
        %jit3A = arith.constant 25000 : i32
        %broadcast_in_dim3A = vector.broadcast %jit3A : i32 to vector<16xi32>
        %select_n3A = arith.select %and3A, %sub3A_152, %broadcast_in_dim3A : vector<16xi1>, vector<16xi32>
        %swap3A = arith.index_cast %mul3A_149 : i32 to index
        %swap3A_159 = tpu.vector_load %arg8[%swap3A] {strides = array<i32>} : memref<2048xi32, #tpu.memory_space<vmem>>, vector<16xi32>,
        %swap3A_160 = vector.shape_cast %swap3A_159 : vector<16xi32> to vector<16xi32>
        %swap3A_161 = vector.shape_cast %select_n3A : vector<16xi32> to vector<16xi32>
        tpu.vector_store %arg8[%swap3A], %swap3A_161 {strides = array<i32>} : memref<2048xi32, #tpu.memory_space<vmem>>, vector<16xi32>,
        %get3A_162 = arith.index_cast %mul3A_149 : i32 to index
        %get3A_163 = tpu.vector_load %arg12[%get3A_162] {strides = array<i32>} : memref<2048xi32, #tpu.memory_space<vmem>>, vector<16xi32>,
        %get3A_164 = vector.shape_cast %get3A_163 : vector<16xi32> to vector<16xi32>
        %sub3A_165 = vector.broadcast %mul3A_0 : i32 to vector<16xi32>
        %sub3A_166 = arith.subi %get3A_164, %sub3A_165 : vector<16xi32>
        %ge3A_167 = arith.constant 0 : i32
        %ge3A_168 = vector.broadcast %ge3A_167 : i32 to vector<16xi32>
        %ge3A_169 = arith.cmpi sge, %sub3A_166, %ge3A_168 : vector<16xi32>
        %lt3A_170 = arith.constant 25000 : i32
        %lt3A_171 = vector.broadcast %lt3A_170 : i32 to vector<16xi32>
        %lt3A_172 = arith.cmpi slt, %sub3A_166, %lt3A_171 : vector<16xi32>
        %and3A_173 = arith.andi %ge3A_169, %lt3A_172 : vector<16xi1>
        %jit3A_174 = arith.constant 25000 : i32
        %broadcast_in_dim3A_175 = vector.broadcast %jit3A_174 : i32 to vector<16xi32>
        %select_n3A_176 = arith.select %and3A_173, %sub3A_166, %broadcast_in_dim3A_175 : vector<16xi1>, vector<16xi32>
        %swap3A_177 = arith.index_cast %mul3A_149 : i32 to index
        %swap3A_178 = tpu.vector_load %arg12[%swap3A_177] {strides = array<i32>} : memref<2048xi32, #tpu.memory_space<vmem>>, vector<16xi32>,
        %swap3A_179 = vector.shape_cast %swap3A_178 : vector<16xi32> to vector<16xi32>
        %swap3A_180 = vector.shape_cast %select_n3A_176 : vector<16xi32> to vector<16xi32>
        tpu.vector_store %arg12[%swap3A_177], %swap3A_180 {strides = array<i32>} : memref<2048xi32, #tpu.memory_space<vmem>>, vector<16xi32>,
      }
      %scan3A_128 = arith.constant 128 : i32
      %ge3A_129 = arith.constant 1 : i32
      %ge3A_130 = arith.cmpi sge, %add3A_106, %ge3A_129 : i32
      %convert_element_type3A_131 = arith.extui %ge3A_130 : i1 to i32
      %cond3A_132 = arith.constant 0 : i32
      %cond3A_133 = arith.cmpi ne, %convert_element_type3A_131, %cond3A_132 : i32
      scf.if %cond3A_133 {
        %dma_wait3A_147 = arith.constant 0 : i32
        %dma_wait3A_148 = tpu.memref_slice %arg22[%dma_wait3A_147] : memref<25600xf32, #tpu.memory_space<vmem_shared>> -> memref<25600xf32, #tpu.memory_space<vmem_shared>>
        tpu.wait_indirect_dma semaphore(%arg28 : memref<!tpu.dma_semaphore, #tpu.memory_space<semaphore_mem>>) src(%arg9 : memref<2048xf32, #tpu.memory_space<vmem>>) dst(%dma_wait3A_148 : memref<25600xf32, #tpu.memory_space<vmem_shared>>)
        %dma_wait3A_149 = arith.constant 0 : i32
        %dma_wait3A_150 = tpu.memref_slice %arg23[%dma_wait3A_149] : memref<25600xf32, #tpu.memory_space<vmem_shared>> -> memref<25600xf32, #tpu.memory_space<vmem_shared>>
        tpu.wait_indirect_dma semaphore(%arg28 : memref<!tpu.dma_semaphore, #tpu.memory_space<semaphore_mem>>) src(%arg15 : memref<2048xf32, #tpu.memory_space<vmem>>) dst(%dma_wait3A_150 : memref<25600xf32, #tpu.memory_space<vmem_shared>>)
        %dma_wait3A_151 = arith.constant 0 : i32
        %dma_wait3A_152 = tpu.memref_slice %arg24[%dma_wait3A_151] : memref<25600xf32, #tpu.memory_space<vmem_shared>> -> memref<25600xf32, #tpu.memory_space<vmem_shared>>
        tpu.wait_indirect_dma semaphore(%arg28 : memref<!tpu.dma_semaphore, #tpu.memory_space<semaphore_mem>>) src(%arg13 : memref<2048xf32, #tpu.memory_space<vmem>>) dst(%dma_wait3A_152 : memref<25600xf32, #tpu.memory_space<vmem_shared>>)
        %dma_wait3A_153 = arith.constant 0 : i32
        %dma_wait3A_154 = tpu.memref_slice %arg25[%dma_wait3A_153] : memref<25600xf32, #tpu.memory_space<vmem_shared>> -> memref<25600xf32, #tpu.memory_space<vmem_shared>>
        tpu.wait_indirect_dma semaphore(%arg28 : memref<!tpu.dma_semaphore, #tpu.memory_space<semaphore_mem>>) src(%arg15 : memref<2048xf32, #tpu.memory_space<vmem>>) dst(%dma_wait3A_154 : memref<25600xf32, #tpu.memory_space<vmem_shared>>)
      } else {
      }
      %dma_start3A_134 = arith.constant 0 : i32
      %dma_start3A_135 = tpu.memref_slice %arg22[%dma_start3A_134] : memref<25600xf32, #tpu.memory_space<vmem_shared>> -> memref<25600xf32, #tpu.memory_space<vmem_shared>>
      tpu.enqueue_indirect_dma source(%arg10 : memref<2048xf32, #tpu.memory_space<vmem>>) target(%dma_start3A_135 : memref<25600xf32, #tpu.memory_space<vmem_shared>>) offsets(%arg8 : memref<2048xi32, #tpu.memory_space<vmem>>) semaphore(%arg28 : memref<!tpu.dma_semaphore, #tpu.memory_space<semaphore_mem>>) {add = true}
      %dma_start3A_136 = arith.constant 0 : i32
      %dma_start3A_137 = tpu.memref_slice %arg23[%dma_start3A_136] : memref<25600xf32, #tpu.memory_space<vmem_shared>> -> memref<25600xf32, #tpu.memory_space<vmem_shared>>
      tpu.enqueue_indirect_dma source(%arg15 : memref<2048xf32, #tpu.memory_space<vmem>>) target(%dma_start3A_137 : memref<25600xf32, #tpu.memory_space<vmem_shared>>) offsets(%arg8 : memref<2048xi32, #tpu.memory_space<vmem>>) semaphore(%arg28 : memref<!tpu.dma_semaphore, #tpu.memory_space<semaphore_mem>>) {add = true}
      %dma_start3A_138 = arith.constant 0 : i32
      %dma_start3A_139 = tpu.memref_slice %arg24[%dma_start3A_138] : memref<25600xf32, #tpu.memory_space<vmem_shared>> -> memref<25600xf32, #tpu.memory_space<vmem_shared>>
      tpu.enqueue_indirect_dma source(%arg14 : memref<2048xf32, #tpu.memory_space<vmem>>) target(%dma_start3A_139 : memref<25600xf32, #tpu.memory_space<vmem_shared>>) offsets(%arg12 : memref<2048xi32, #tpu.memory_space<vmem>>) semaphore(%arg28 : memref<!tpu.dma_semaphore, #tpu.memory_space<semaphore_mem>>) {add = true}
      %dma_start3A_140 = arith.constant 0 : i32
      %dma_start3A_141 = tpu.memref_slice %arg25[%dma_start3A_140] : memref<25600xf32, #tpu.memory_space<vmem_shared>> -> memref<25600xf32, #tpu.memory_space<vmem_shared>>
      tpu.enqueue_indirect_dma source(%arg15 : memref<2048xf32, #tpu.memory_space<vmem>>) target(%dma_start3A_141 : memref<25600xf32, #tpu.memory_space<vmem_shared>>) offsets(%arg12 : memref<2048xi32, #tpu.memory_space<vmem>>) semaphore(%arg28 : memref<!tpu.dma_semaphore, #tpu.memory_space<semaphore_mem>>) {add = true}
      %lt3A_142 = arith.constant 49 : i32
      %lt3A_143 = arith.cmpi slt, %add3A_106, %lt3A_142 : i32
      %convert_element_type3A_144 = arith.extui %lt3A_143 : i1 to i32
      %cond3A_145 = arith.constant 0 : i32
      %cond3A_146 = arith.cmpi ne, %convert_element_type3A_144, %cond3A_145 : i32
      scf.if %cond3A_146 {
        %add3A_147 = arith.constant 1 : i32
        %add3A_148 = arith.addi %add3A_106, %add3A_147 : i32
        %mul3A_149 = arith.constant 2048 : i32
        %mul3A_150 = arith.muli %add3A_148, %mul3A_149 : i32
        %add3A_151 = arith.addi %mul3A_2, %mul3A_150 : i32
        %dma_start3A_152 = tpu.memref_slice %arg4[%add3A_151] : memref<1638400xi32, #tpu.memory_space<hbm>> -> memref<2048xi32, #tpu.memory_space<hbm>>
        %dma_start3A_153 = tpu.memref_slice %arg4[%add3A_151] : memref<1638400xi32, #tpu.memory_space<hbm>> -> memref<2048xi32, #tpu.memory_space<hbm>>
        tpu.enqueue_dma source(%dma_start3A_153 : memref<2048xi32, #tpu.memory_space<hbm>>) target(%arg7 : memref<2048xi32, #tpu.memory_space<vmem>>) target_semaphore(%arg26 : memref<!tpu.dma_semaphore, #tpu.memory_space<semaphore_mem>>)
        %dma_start3A_154 = tpu.memref_slice %arg2[%add3A_151] : memref<1638400xf32, #tpu.memory_space<hbm>> -> memref<2048xf32, #tpu.memory_space<hbm>>
        %dma_start3A_155 = tpu.memref_slice %arg2[%add3A_151] : memref<1638400xf32, #tpu.memory_space<hbm>> -> memref<2048xf32, #tpu.memory_space<hbm>>
        tpu.enqueue_dma source(%dma_start3A_155 : memref<2048xf32, #tpu.memory_space<hbm>>) target(%arg9 : memref<2048xf32, #tpu.memory_space<vmem>>) target_semaphore(%arg26 : memref<!tpu.dma_semaphore, #tpu.memory_space<semaphore_mem>>)
        %dma_start3A_156 = tpu.memref_slice %arg5[%add3A_151] : memref<1638400xi32, #tpu.memory_space<hbm>> -> memref<2048xi32, #tpu.memory_space<hbm>>
        %dma_start3A_157 = tpu.memref_slice %arg5[%add3A_151] : memref<1638400xi32, #tpu.memory_space<hbm>> -> memref<2048xi32, #tpu.memory_space<hbm>>
        tpu.enqueue_dma source(%dma_start3A_157 : memref<2048xi32, #tpu.memory_space<hbm>>) target(%arg11 : memref<2048xi32, #tpu.memory_space<vmem>>) target_semaphore(%arg26 : memref<!tpu.dma_semaphore, #tpu.memory_space<semaphore_mem>>)
        %dma_start3A_158 = tpu.memref_slice %arg3[%add3A_151] : memref<1638400xf32, #tpu.memory_space<hbm>> -> memref<2048xf32, #tpu.memory_space<hbm>>
        %dma_start3A_159 = tpu.memref_slice %arg3[%add3A_151] : memref<1638400xf32, #tpu.memory_space<hbm>> -> memref<2048xf32, #tpu.memory_space<hbm>>
        tpu.enqueue_dma source(%dma_start3A_159 : memref<2048xf32, #tpu.memory_space<hbm>>) target(%arg13 : memref<2048xf32, #tpu.memory_space<vmem>>) target_semaphore(%arg26 : memref<!tpu.dma_semaphore, #tpu.memory_space<semaphore_mem>>)
      } else {
      }
    }
    %scan3A_35 = arith.constant 25 : i32
    %dma_wait3A = arith.constant 0 : i32
    %dma_wait3A_36 = tpu.memref_slice %arg22[%dma_wait3A] : memref<25600xf32, #tpu.memory_space<vmem_shared>> -> memref<25600xf32, #tpu.memory_space<vmem_shared>>
    tpu.wait_indirect_dma semaphore(%arg28 : memref<!tpu.dma_semaphore, #tpu.memory_space<semaphore_mem>>) src(%arg10 : memref<2048xf32, #tpu.memory_space<vmem>>) dst(%dma_wait3A_36 : memref<25600xf32, #tpu.memory_space<vmem_shared>>)
    %dma_wait3A_37 = arith.constant 0 : i32
    %dma_wait3A_38 = tpu.memref_slice %arg23[%dma_wait3A_37] : memref<25600xf32, #tpu.memory_space<vmem_shared>> -> memref<25600xf32, #tpu.memory_space<vmem_shared>>
    tpu.wait_indirect_dma semaphore(%arg28 : memref<!tpu.dma_semaphore, #tpu.memory_space<semaphore_mem>>) src(%arg15 : memref<2048xf32, #tpu.memory_space<vmem>>) dst(%dma_wait3A_38 : memref<25600xf32, #tpu.memory_space<vmem_shared>>)
    %dma_wait3A_39 = arith.constant 0 : i32
    %dma_wait3A_40 = tpu.memref_slice %arg24[%dma_wait3A_39] : memref<25600xf32, #tpu.memory_space<vmem_shared>> -> memref<25600xf32, #tpu.memory_space<vmem_shared>>
    tpu.wait_indirect_dma semaphore(%arg28 : memref<!tpu.dma_semaphore, #tpu.memory_space<semaphore_mem>>) src(%arg14 : memref<2048xf32, #tpu.memory_space<vmem>>) dst(%dma_wait3A_40 : memref<25600xf32, #tpu.memory_space<vmem_shared>>)
    %dma_wait3A_41 = arith.constant 0 : i32
    %dma_wait3A_42 = tpu.memref_slice %arg25[%dma_wait3A_41] : memref<25600xf32, #tpu.memory_space<vmem_shared>> -> memref<25600xf32, #tpu.memory_space<vmem_shared>>
    tpu.wait_indirect_dma semaphore(%arg28 : memref<!tpu.dma_semaphore, #tpu.memory_space<semaphore_mem>>) src(%arg15 : memref<2048xf32, #tpu.memory_space<vmem>>) dst(%dma_wait3A_42 : memref<25600xf32, #tpu.memory_space<vmem_shared>>)
    %barrier3A_43 = arith.constant 0 : index
    tpu.barrier barrier_id(%barrier3A_43)
    %mul3A_44 = arith.constant 1600 : i32
    %mul3A_45 = arith.muli %arg1, %mul3A_44 : i32
    "tpu.region"() ({
      %run_scoped3A = tpu.sem_alloc : memref<!tpu.dma_semaphore, #tpu.memory_space<semaphore_mem>>
      %dma_start3A_59 = tpu.memref_slice %arg22[%mul3A_45] : memref<25600xf32, #tpu.memory_space<vmem_shared>> -> memref<1600xf32, #tpu.memory_space<vmem_shared>>
      %dma_start3A_60 = tpu.memref_slice %arg22[%mul3A_45] : memref<25600xf32, #tpu.memory_space<vmem_shared>> -> memref<1600xf32, #tpu.memory_space<vmem_shared>>
      tpu.enqueue_dma source(%dma_start3A_60 : memref<1600xf32, #tpu.memory_space<vmem_shared>>) target(%arg17 : memref<1600xf32, #tpu.memory_space<vmem>>) target_semaphore(%run_scoped3A : memref<!tpu.dma_semaphore, #tpu.memory_space<semaphore_mem>>)
      %dma_wait3A_61 = tpu.memref_slice %arg22[%mul3A_45] : memref<25600xf32, #tpu.memory_space<vmem_shared>> -> memref<1600xf32, #tpu.memory_space<vmem_shared>>
      %dma_wait3A_62 = tpu.memref_slice %arg22[%mul3A_45] : memref<25600xf32, #tpu.memory_space<vmem_shared>> -> memref<1600xf32, #tpu.memory_space<vmem_shared>>
      tpu.wait_dma2 semaphore(%run_scoped3A : memref<!tpu.dma_semaphore, #tpu.memory_space<semaphore_mem>>) src(%dma_wait3A_62 : memref<1600xf32, #tpu.memory_space<vmem_shared>>) dst(%arg17 : memref<1600xf32, #tpu.memory_space<vmem>>)
      tpu.yield
    }) : () -> ()
    "tpu.region"() ({
      %run_scoped3A = tpu.sem_alloc : memref<!tpu.dma_semaphore, #tpu.memory_space<semaphore_mem>>
      %dma_start3A_59 = tpu.memref_slice %arg23[%mul3A_45] : memref<25600xf32, #tpu.memory_space<vmem_shared>> -> memref<1600xf32, #tpu.memory_space<vmem_shared>>
      %dma_start3A_60 = tpu.memref_slice %arg23[%mul3A_45] : memref<25600xf32, #tpu.memory_space<vmem_shared>> -> memref<1600xf32, #tpu.memory_space<vmem_shared>>
      tpu.enqueue_dma source(%dma_start3A_60 : memref<1600xf32, #tpu.memory_space<vmem_shared>>) target(%arg18 : memref<1600xf32, #tpu.memory_space<vmem>>) target_semaphore(%run_scoped3A : memref<!tpu.dma_semaphore, #tpu.memory_space<semaphore_mem>>)
      %dma_wait3A_61 = tpu.memref_slice %arg23[%mul3A_45] : memref<25600xf32, #tpu.memory_space<vmem_shared>> -> memref<1600xf32, #tpu.memory_space<vmem_shared>>
      %dma_wait3A_62 = tpu.memref_slice %arg23[%mul3A_45] : memref<25600xf32, #tpu.memory_space<vmem_shared>> -> memref<1600xf32, #tpu.memory_space<vmem_shared>>
      tpu.wait_dma2 semaphore(%run_scoped3A : memref<!tpu.dma_semaphore, #tpu.memory_space<semaphore_mem>>) src(%dma_wait3A_62 : memref<1600xf32, #tpu.memory_space<vmem_shared>>) dst(%arg18 : memref<1600xf32, #tpu.memory_space<vmem>>)
      tpu.yield
    }) : () -> ()
    "tpu.region"() ({
      %run_scoped3A = tpu.sem_alloc : memref<!tpu.dma_semaphore, #tpu.memory_space<semaphore_mem>>
      %dma_start3A_59 = tpu.memref_slice %arg24[%mul3A_45] : memref<25600xf32, #tpu.memory_space<vmem_shared>> -> memref<1600xf32, #tpu.memory_space<vmem_shared>>
      %dma_start3A_60 = tpu.memref_slice %arg24[%mul3A_45] : memref<25600xf32, #tpu.memory_space<vmem_shared>> -> memref<1600xf32, #tpu.memory_space<vmem_shared>>
      tpu.enqueue_dma source(%dma_start3A_60 : memref<1600xf32, #tpu.memory_space<vmem_shared>>) target(%arg19 : memref<1600xf32, #tpu.memory_space<vmem>>) target_semaphore(%run_scoped3A : memref<!tpu.dma_semaphore, #tpu.memory_space<semaphore_mem>>)
      %dma_wait3A_61 = tpu.memref_slice %arg24[%mul3A_45] : memref<25600xf32, #tpu.memory_space<vmem_shared>> -> memref<1600xf32, #tpu.memory_space<vmem_shared>>
      %dma_wait3A_62 = tpu.memref_slice %arg24[%mul3A_45] : memref<25600xf32, #tpu.memory_space<vmem_shared>> -> memref<1600xf32, #tpu.memory_space<vmem_shared>>
      tpu.wait_dma2 semaphore(%run_scoped3A : memref<!tpu.dma_semaphore, #tpu.memory_space<semaphore_mem>>) src(%dma_wait3A_62 : memref<1600xf32, #tpu.memory_space<vmem_shared>>) dst(%arg19 : memref<1600xf32, #tpu.memory_space<vmem>>)
      tpu.yield
    }) : () -> ()
    "tpu.region"() ({
      %run_scoped3A = tpu.sem_alloc : memref<!tpu.dma_semaphore, #tpu.memory_space<semaphore_mem>>
      %dma_start3A_59 = tpu.memref_slice %arg25[%mul3A_45] : memref<25600xf32, #tpu.memory_space<vmem_shared>> -> memref<1600xf32, #tpu.memory_space<vmem_shared>>
      %dma_start3A_60 = tpu.memref_slice %arg25[%mul3A_45] : memref<25600xf32, #tpu.memory_space<vmem_shared>> -> memref<1600xf32, #tpu.memory_space<vmem_shared>>
      tpu.enqueue_dma source(%dma_start3A_60 : memref<1600xf32, #tpu.memory_space<vmem_shared>>) target(%arg20 : memref<1600xf32, #tpu.memory_space<vmem>>) target_semaphore(%run_scoped3A : memref<!tpu.dma_semaphore, #tpu.memory_space<semaphore_mem>>)
      %dma_wait3A_61 = tpu.memref_slice %arg25[%mul3A_45] : memref<25600xf32, #tpu.memory_space<vmem_shared>> -> memref<1600xf32, #tpu.memory_space<vmem_shared>>
      %dma_wait3A_62 = tpu.memref_slice %arg25[%mul3A_45] : memref<25600xf32, #tpu.memory_space<vmem_shared>> -> memref<1600xf32, #tpu.memory_space<vmem_shared>>
      tpu.wait_dma2 semaphore(%run_scoped3A : memref<!tpu.dma_semaphore, #tpu.memory_space<semaphore_mem>>) src(%dma_wait3A_62 : memref<1600xf32, #tpu.memory_space<vmem_shared>>) dst(%arg20 : memref<1600xf32, #tpu.memory_space<vmem>>)
      tpu.yield
    }) : () -> ()
    %scan3A_46 = arith.constant 0 : i32
    %scan3A_47 = arith.constant 0 : i32
    %scan3A_48 = arith.constant 100 : i32
    %scan3A_49 = arith.addi %scan3A_47, %scan3A_48 : i32
    %scan3A_50 = arith.constant 1 : i32
    scf.for %scan3A_59 = %scan3A_47 to %scan3A_49 step %scan3A_50  : i32 {
      %mul3A_60 = arith.constant 16 : i32
      %mul3A_61 = arith.muli %scan3A_59, %mul3A_60 : i32
      %get3A = arith.index_cast %mul3A_61 : i32 to index
      %get3A_62 = tpu.vector_load %arg17[%get3A] {strides = array<i32>} : memref<1600xf32, #tpu.memory_space<vmem>>, vector<16xf32>,
      %get3A_63 = vector.shape_cast %get3A_62 : vector<16xf32> to vector<16xf32>
      %get3A_64 = arith.index_cast %mul3A_61 : i32 to index
      %get3A_65 = tpu.vector_load %arg18[%get3A_64] {strides = array<i32>} : memref<1600xf32, #tpu.memory_space<vmem>>, vector<16xf32>,
      %get3A_66 = vector.shape_cast %get3A_65 : vector<16xf32> to vector<16xf32>
      %max3A = arith.constant 1.000000e+00 : f32
      %max3A_67 = vector.broadcast %max3A : f32 to vector<16xf32>
      %max3A_68 = arith.maximumf %get3A_66, %max3A_67 : vector<16xf32>
      %div3A = arith.divf %get3A_63, %max3A_68 : vector<16xf32>
      %get3A_69 = arith.index_cast %mul3A_61 : i32 to index
      %get3A_70 = tpu.vector_load %arg19[%get3A_69] {strides = array<i32>} : memref<1600xf32, #tpu.memory_space<vmem>>, vector<16xf32>,
      %get3A_71 = vector.shape_cast %get3A_70 : vector<16xf32> to vector<16xf32>
      %get3A_72 = arith.index_cast %mul3A_61 : i32 to index
      %get3A_73 = tpu.vector_load %arg20[%get3A_72] {strides = array<i32>} : memref<1600xf32, #tpu.memory_space<vmem>>, vector<16xf32>,
      %get3A_74 = vector.shape_cast %get3A_73 : vector<16xf32> to vector<16xf32>
      %max3A_75 = arith.constant 1.000000e+00 : f32
      %max3A_76 = vector.broadcast %max3A_75 : f32 to vector<16xf32>
      %max3A_77 = arith.maximumf %get3A_74, %max3A_76 : vector<16xf32>
      %div3A_78 = arith.divf %get3A_71, %max3A_77 : vector<16xf32>
      %add3A_79 = arith.addf %div3A, %div3A_78 : vector<16xf32>
      %swap3A = arith.index_cast %mul3A_61 : i32 to index
      %swap3A_80 = tpu.vector_load %arg21[%swap3A] {strides = array<i32>} : memref<1600xf32, #tpu.memory_space<vmem>>, vector<16xf32>,
      %swap3A_81 = vector.shape_cast %swap3A_80 : vector<16xf32> to vector<16xf32>
      %swap3A_82 = vector.shape_cast %add3A_79 : vector<16xf32> to vector<16xf32>
      tpu.vector_store %arg21[%swap3A], %swap3A_82 {strides = array<i32>} : memref<1600xf32, #tpu.memory_space<vmem>>, vector<16xf32>,
    }
    %scan3A_51 = arith.constant 100 : i32
    %add3A_52 = arith.addi %mul3A_0, %mul3A_45 : i32
    %lt3A = arith.constant 15 : i32
    %lt3A_53 = arith.cmpi slt, %arg1, %lt3A : i32
    %convert_element_type3A = arith.extui %lt3A_53 : i1 to i32
    %cond3A = arith.constant 0 : i32
    %cond3A_54 = arith.cmpi ne, %convert_element_type3A, %cond3A : i32
    scf.if %cond3A_54 {
      "tpu.region"() ({
        %run_scoped3A = tpu.sem_alloc : memref<!tpu.dma_semaphore, #tpu.memory_space<semaphore_mem>>
        %dma_start3A_59 = tpu.memref_slice %arg6[%add3A_52] : memref<50000xf32, #tpu.memory_space<hbm>> -> memref<1600xf32, #tpu.memory_space<hbm>>
        %dma_start3A_60 = tpu.memref_slice %arg6[%add3A_52] : memref<50000xf32, #tpu.memory_space<hbm>> -> memref<1600xf32, #tpu.memory_space<hbm>>
        tpu.enqueue_dma source(%arg21 : memref<1600xf32, #tpu.memory_space<vmem>>) target(%dma_start3A_60 : memref<1600xf32, #tpu.memory_space<hbm>>) target_semaphore(%run_scoped3A : memref<!tpu.dma_semaphore, #tpu.memory_space<semaphore_mem>>)
        %dma_wait3A_61 = tpu.memref_slice %arg6[%add3A_52] : memref<50000xf32, #tpu.memory_space<hbm>> -> memref<1600xf32, #tpu.memory_space<hbm>>
        %dma_wait3A_62 = tpu.memref_slice %arg6[%add3A_52] : memref<50000xf32, #tpu.memory_space<hbm>> -> memref<1600xf32, #tpu.memory_space<hbm>>
        tpu.wait_dma2 semaphore(%run_scoped3A : memref<!tpu.dma_semaphore, #tpu.memory_space<semaphore_mem>>) src(%arg21 : memref<1600xf32, #tpu.memory_space<vmem>>) dst(%dma_wait3A_62 : memref<1600xf32, #tpu.memory_space<hbm>>)
        tpu.yield
      }) : () -> ()
    } else {
    }
    %eq3A = arith.constant 15 : i32
    %eq3A_55 = arith.cmpi eq, %arg1, %eq3A : i32
    %convert_element_type3A_56 = arith.extui %eq3A_55 : i1 to i32
    %cond3A_57 = arith.constant 0 : i32
    %cond3A_58 = arith.cmpi ne, %convert_element_type3A_56, %cond3A_57 : i32
    scf.if %cond3A_58 {
      "tpu.region"() ({
        %run_scoped3A = tpu.sem_alloc : memref<!tpu.dma_semaphore, #tpu.memory_space<semaphore_mem>>
        %dma_start3A_59 = arith.constant 0 : i32
        %dma_start3A_60 = tpu.memref_slice %arg21[%dma_start3A_59] : memref<1600xf32, #tpu.memory_space<vmem>> -> memref<1000xf32, #tpu.memory_space<vmem>>
        %dma_start3A_61 = tpu.memref_slice %arg6[%add3A_52] : memref<50000xf32, #tpu.memory_space<hbm>> -> memref<1000xf32, #tpu.memory_space<hbm>>
        %dma_start3A_62 = tpu.memref_slice %arg6[%add3A_52] : memref<50000xf32, #tpu.memory_space<hbm>> -> memref<1000xf32, #tpu.memory_space<hbm>>
        %dma_start3A_63 = arith.constant 0 : i32
        %dma_start3A_64 = tpu.memref_slice %arg21[%dma_start3A_63] : memref<1600xf32, #tpu.memory_space<vmem>> -> memref<1000xf32, #tpu.memory_space<vmem>>
        tpu.enqueue_dma source(%dma_start3A_64 : memref<1000xf32, #tpu.memory_space<vmem>>) target(%dma_start3A_62 : memref<1000xf32, #tpu.memory_space<hbm>>) target_semaphore(%run_scoped3A : memref<!tpu.dma_semaphore, #tpu.memory_space<semaphore_mem>>)
        %dma_wait3A_65 = arith.constant 0 : i32
        %dma_wait3A_66 = tpu.memref_slice %arg21[%dma_wait3A_65] : memref<1600xf32, #tpu.memory_space<vmem>> -> memref<1000xf32, #tpu.memory_space<vmem>>
        %dma_wait3A_67 = tpu.memref_slice %arg6[%add3A_52] : memref<50000xf32, #tpu.memory_space<hbm>> -> memref<1000xf32, #tpu.memory_space<hbm>>
        %dma_wait3A_68 = tpu.memref_slice %arg6[%add3A_52] : memref<50000xf32, #tpu.memory_space<hbm>> -> memref<1000xf32, #tpu.memory_space<hbm>>
        %dma_wait3A_69 = arith.constant 0 : i32
        %dma_wait3A_70 = tpu.memref_slice %arg21[%dma_wait3A_69] : memref<1600xf32, #tpu.memory_space<vmem>> -> memref<1000xf32, #tpu.memory_space<vmem>>
        tpu.wait_dma2 semaphore(%run_scoped3A : memref<!tpu.dma_semaphore, #tpu.memory_space<semaphore_mem>>) src(%dma_wait3A_70 : memref<1000xf32, #tpu.memory_space<vmem>>) dst(%dma_wait3A_68 : memref<1000xf32, #tpu.memory_space<hbm>>)
        tpu.yield
      }) : () -> ()
    } else {
    }
    return
  }
}

#map = affine_map<(d0, d1) -> (0, 0)>
module attributes {stable_mosaic.version = 14 : i64} {
  func.func @_sc_gather_body(%arg0: i32, %arg1: i32, %arg2: memref<50000x16xf32, #tpu.memory_space<hbm>>, %arg3: memref<32x51200xi32, #tpu.memory_space<hbm>>, %arg4: memref<32x51200xi32, #tpu.memory_space<hbm>>, %arg5: memref<1638400x16xf32, #tpu.memory_space<hbm>>, %arg6: memref<1638400x16xf32, #tpu.memory_space<hbm>>, %arg7: memref<6400xi32, #tpu.memory_space<vmem>>, %arg8: memref<6400xi32, #tpu.memory_space<vmem>>, %arg9: memref<6400xi32, #tpu.memory_space<vmem>>, %arg10: memref<6400xi32, #tpu.memory_space<vmem>>, %arg11: memref<800x16xf32, #tpu.memory_space<vmem>>, %arg12: memref<800x16xf32, #tpu.memory_space<vmem>>, %arg13: memref<800x16xf32, #tpu.memory_space<vmem>>, %arg14: memref<800x16xf32, #tpu.memory_space<vmem>>, %arg15: memref<!tpu.dma_semaphore, #tpu.memory_space<semaphore_mem>>, %arg16: memref<!tpu.dma_semaphore, #tpu.memory_space<semaphore_mem>>, %arg17: memref<!tpu.dma_semaphore, #tpu.memory_space<semaphore_mem>>, %arg18: memref<!tpu.dma_semaphore, #tpu.memory_space<semaphore_mem>>) attributes {dimension_semantics = [#tpu.dimension_semantics<core_parallel>, #tpu.dimension_semantics<subcore_parallel>], iteration_bounds = array<i64: 2, 16>, scalar_prefetch = 0 : i64, scratch_operands = 12 : i64, tpu.core_type = #tpu.core_type<sc_vector_subcore>, window_params = [{transform_indices = #map}, {transform_indices = #map}, {transform_indices = #map}, {transform_indices = #map}, {transform_indices = #map}]} {
    %mul3A = arith.constant 2 : i32
    %mul3A_0 = arith.muli %arg1, %mul3A : i32
    %add3A = arith.addi %mul3A_0, %arg0 : i32
    %mul3A_1 = arith.constant 51200 : i32
    %mul3A_2 = arith.muli %add3A, %mul3A_1 : i32
    %scan3A = arith.constant 0 : i32
    %scan3A_3 = arith.constant 0 : i32
    %scan3A_4 = arith.constant 4 : i32
    %scan3A_5 = arith.addi %scan3A_3, %scan3A_4 : i32
    %scan3A_6 = arith.constant 1 : i32
    scf.for %scan3A_50 = %scan3A_3 to %scan3A_5 step %scan3A_6  : i32 {
      %mul3A_51 = arith.constant 2 : i32
      %mul3A_52 = arith.muli %scan3A_50, %mul3A_51 : i32
      %add3A_53 = arith.constant 0 : i32
      %add3A_54 = arith.addi %mul3A_52, %add3A_53 : i32
      %mul3A_55 = arith.constant 6400 : i32
      %mul3A_56 = arith.muli %add3A_54, %mul3A_55 : i32
      "tpu.region"() ({
        %run_scoped3A = tpu.sem_alloc : memref<!tpu.dma_semaphore, #tpu.memory_space<semaphore_mem>>
        %dma_start3A_79 = tpu.memref_slice %arg3[%add3A, %mul3A_56] : memref<32x51200xi32, #tpu.memory_space<hbm>> -> memref<1x6400xi32, #tpu.memory_space<hbm>>
        %dma_start3A_80 = tpu.memref_squeeze %dma_start3A_79 : memref<1x6400xi32, #tpu.memory_space<hbm>> -> memref<6400xi32, #tpu.memory_space<hbm>>
        %dma_start3A_81 = tpu.memref_slice %arg3[%add3A, %mul3A_56] : memref<32x51200xi32, #tpu.memory_space<hbm>> -> memref<1x6400xi32, #tpu.memory_space<hbm>>
        %dma_start3A_82 = tpu.memref_squeeze %dma_start3A_81 : memref<1x6400xi32, #tpu.memory_space<hbm>> -> memref<6400xi32, #tpu.memory_space<hbm>>
        tpu.enqueue_dma source(%dma_start3A_82 : memref<6400xi32, #tpu.memory_space<hbm>>) target(%arg7 : memref<6400xi32, #tpu.memory_space<vmem>>) target_semaphore(%run_scoped3A : memref<!tpu.dma_semaphore, #tpu.memory_space<semaphore_mem>>)
        %dma_wait3A_83 = tpu.memref_slice %arg3[%add3A, %mul3A_56] : memref<32x51200xi32, #tpu.memory_space<hbm>> -> memref<1x6400xi32, #tpu.memory_space<hbm>>
        %dma_wait3A_84 = tpu.memref_squeeze %dma_wait3A_83 : memref<1x6400xi32, #tpu.memory_space<hbm>> -> memref<6400xi32, #tpu.memory_space<hbm>>
        %dma_wait3A_85 = tpu.memref_slice %arg3[%add3A, %mul3A_56] : memref<32x51200xi32, #tpu.memory_space<hbm>> -> memref<1x6400xi32, #tpu.memory_space<hbm>>
        %dma_wait3A_86 = tpu.memref_squeeze %dma_wait3A_85 : memref<1x6400xi32, #tpu.memory_space<hbm>> -> memref<6400xi32, #tpu.memory_space<hbm>>
        tpu.wait_dma2 semaphore(%run_scoped3A : memref<!tpu.dma_semaphore, #tpu.memory_space<semaphore_mem>>) src(%dma_wait3A_86 : memref<6400xi32, #tpu.memory_space<hbm>>) dst(%arg7 : memref<6400xi32, #tpu.memory_space<vmem>>)
        tpu.yield
      }) : () -> ()
      %mul3A_57 = arith.constant 6400 : i32
      %mul3A_58 = arith.muli %add3A_54, %mul3A_57 : i32
      "tpu.region"() ({
        %run_scoped3A = tpu.sem_alloc : memref<!tpu.dma_semaphore, #tpu.memory_space<semaphore_mem>>
        %dma_start3A_79 = tpu.memref_slice %arg4[%add3A, %mul3A_58] : memref<32x51200xi32, #tpu.memory_space<hbm>> -> memref<1x6400xi32, #tpu.memory_space<hbm>>
        %dma_start3A_80 = tpu.memref_squeeze %dma_start3A_79 : memref<1x6400xi32, #tpu.memory_space<hbm>> -> memref<6400xi32, #tpu.memory_space<hbm>>
        %dma_start3A_81 = tpu.memref_slice %arg4[%add3A, %mul3A_58] : memref<32x51200xi32, #tpu.memory_space<hbm>> -> memref<1x6400xi32, #tpu.memory_space<hbm>>
        %dma_start3A_82 = tpu.memref_squeeze %dma_start3A_81 : memref<1x6400xi32, #tpu.memory_space<hbm>> -> memref<6400xi32, #tpu.memory_space<hbm>>
        tpu.enqueue_dma source(%dma_start3A_82 : memref<6400xi32, #tpu.memory_space<hbm>>) target(%arg9 : memref<6400xi32, #tpu.memory_space<vmem>>) target_semaphore(%run_scoped3A : memref<!tpu.dma_semaphore, #tpu.memory_space<semaphore_mem>>)
        %dma_wait3A_83 = tpu.memref_slice %arg4[%add3A, %mul3A_58] : memref<32x51200xi32, #tpu.memory_space<hbm>> -> memref<1x6400xi32, #tpu.memory_space<hbm>>
        %dma_wait3A_84 = tpu.memref_squeeze %dma_wait3A_83 : memref<1x6400xi32, #tpu.memory_space<hbm>> -> memref<6400xi32, #tpu.memory_space<hbm>>
        %dma_wait3A_85 = tpu.memref_slice %arg4[%add3A, %mul3A_58] : memref<32x51200xi32, #tpu.memory_space<hbm>> -> memref<1x6400xi32, #tpu.memory_space<hbm>>
        %dma_wait3A_86 = tpu.memref_squeeze %dma_wait3A_85 : memref<1x6400xi32, #tpu.memory_space<hbm>> -> memref<6400xi32, #tpu.memory_space<hbm>>
        tpu.wait_dma2 semaphore(%run_scoped3A : memref<!tpu.dma_semaphore, #tpu.memory_space<semaphore_mem>>) src(%dma_wait3A_86 : memref<6400xi32, #tpu.memory_space<hbm>>) dst(%arg9 : memref<6400xi32, #tpu.memory_space<vmem>>)
        tpu.yield
      }) : () -> ()
      %scan3A_59 = arith.constant 0 : i32
      %scan3A_60 = arith.constant 0 : i32
      %scan3A_61 = arith.constant 4 : i32
      %scan3A_62 = arith.addi %scan3A_60, %scan3A_61 : i32
      %scan3A_63 = arith.constant 1 : i32
      scf.for %scan3A_79 = %scan3A_60 to %scan3A_62 step %scan3A_63  : i32 {
        %mul3A_80 = arith.constant 2 : i32
        %mul3A_81 = arith.muli %scan3A_79, %mul3A_80 : i32
        %add3A_82 = arith.constant 0 : i32
        %add3A_83 = arith.addi %mul3A_81, %add3A_82 : i32
        %mul3A_84 = arith.constant 8 : i32
        %mul3A_85 = arith.muli %add3A_54, %mul3A_84 : i32
        %add3A_86 = arith.addi %mul3A_85, %add3A_83 : i32
        %ge3A = arith.constant 2 : i32
        %ge3A_87 = arith.cmpi sge, %add3A_86, %ge3A : i32
        %convert_element_type3A = arith.extui %ge3A_87 : i1 to i32
        %cond3A = arith.constant 0 : i32
        %cond3A_88 = arith.cmpi ne, %convert_element_type3A, %cond3A : i32
        scf.if %cond3A_88 {
          %dma_wait3A_135 = arith.constant 0 : i32
          %dma_wait3A_136 = arith.constant 0 : i32
          %dma_wait3A_137 = tpu.memref_slice %arg5[%dma_wait3A_135, %dma_wait3A_136] : memref<1638400x16xf32, #tpu.memory_space<hbm>> -> memref<800x16xf32, #tpu.memory_space<hbm>>
          %dma_wait3A_138 = arith.constant 0 : i32
          %dma_wait3A_139 = arith.constant 0 : i32
          %dma_wait3A_140 = tpu.memref_slice %arg5[%dma_wait3A_138, %dma_wait3A_139] : memref<1638400x16xf32, #tpu.memory_space<hbm>> -> memref<800x16xf32, #tpu.memory_space<hbm>>
          tpu.wait_dma2 semaphore(%arg17 : memref<!tpu.dma_semaphore, #tpu.memory_space<semaphore_mem>>) src(%arg11 : memref<800x16xf32, #tpu.memory_space<vmem>>) dst(%dma_wait3A_140 : memref<800x16xf32, #tpu.memory_space<hbm>>)
          %dma_wait3A_141 = arith.constant 0 : i32
          %dma_wait3A_142 = arith.constant 0 : i32
          %dma_wait3A_143 = tpu.memref_slice %arg6[%dma_wait3A_141, %dma_wait3A_142] : memref<1638400x16xf32, #tpu.memory_space<hbm>> -> memref<800x16xf32, #tpu.memory_space<hbm>>
          %dma_wait3A_144 = arith.constant 0 : i32
          %dma_wait3A_145 = arith.constant 0 : i32
          %dma_wait3A_146 = tpu.memref_slice %arg6[%dma_wait3A_144, %dma_wait3A_145] : memref<1638400x16xf32, #tpu.memory_space<hbm>> -> memref<800x16xf32, #tpu.memory_space<hbm>>
          tpu.wait_dma2 semaphore(%arg17 : memref<!tpu.dma_semaphore, #tpu.memory_space<semaphore_mem>>) src(%arg13 : memref<800x16xf32, #tpu.memory_space<vmem>>) dst(%dma_wait3A_146 : memref<800x16xf32, #tpu.memory_space<hbm>>)
        } else {
        }
        %mul3A_89 = arith.constant 800 : i32
        %mul3A_90 = arith.muli %add3A_83, %mul3A_89 : i32
        %dma_start3A_91 = tpu.memref_slice %arg7[%mul3A_90] : memref<6400xi32, #tpu.memory_space<vmem>> -> memref<800xi32, #tpu.memory_space<vmem>>
        %dma_start3A_92 = arith.constant 0 : i32
        %dma_start3A_93 = arith.constant 0 : i32
        %dma_start3A_94 = tpu.memref_slice %arg2[%dma_start3A_92, %dma_start3A_93] : memref<50000x16xf32, #tpu.memory_space<hbm>> -> memref<50000x16xf32, #tpu.memory_space<hbm>>
        tpu.enqueue_indirect_dma source(%dma_start3A_94 : memref<50000x16xf32, #tpu.memory_space<hbm>>) target(%arg11 : memref<800x16xf32, #tpu.memory_space<vmem>>) offsets(%dma_start3A_91 : memref<800xi32, #tpu.memory_space<vmem>>) semaphore(%arg15 : memref<!tpu.dma_semaphore, #tpu.memory_space<semaphore_mem>>)
        %mul3A_95 = arith.constant 800 : i32
        %mul3A_96 = arith.muli %add3A_83, %mul3A_95 : i32
        %dma_start3A_97 = tpu.memref_slice %arg9[%mul3A_96] : memref<6400xi32, #tpu.memory_space<vmem>> -> memref<800xi32, #tpu.memory_space<vmem>>
        %dma_start3A_98 = arith.constant 0 : i32
        %dma_start3A_99 = arith.constant 0 : i32
        %dma_start3A_100 = tpu.memref_slice %arg2[%dma_start3A_98, %dma_start3A_99] : memref<50000x16xf32, #tpu.memory_space<hbm>> -> memref<50000x16xf32, #tpu.memory_space<hbm>>
        tpu.enqueue_indirect_dma source(%dma_start3A_100 : memref<50000x16xf32, #tpu.memory_space<hbm>>) target(%arg13 : memref<800x16xf32, #tpu.memory_space<vmem>>) offsets(%dma_start3A_97 : memref<800xi32, #tpu.memory_space<vmem>>) semaphore(%arg15 : memref<!tpu.dma_semaphore, #tpu.memory_space<semaphore_mem>>)
        %ge3A_101 = arith.constant 1 : i32
        %ge3A_102 = arith.cmpi sge, %add3A_86, %ge3A_101 : i32
        %convert_element_type3A_103 = arith.extui %ge3A_102 : i1 to i32
        %cond3A_104 = arith.constant 0 : i32
        %cond3A_105 = arith.cmpi ne, %convert_element_type3A_103, %cond3A_104 : i32
        scf.if %cond3A_105 {
          %dma_wait3A_135 = arith.constant 0 : i32
          %dma_wait3A_136 = tpu.memref_slice %arg7[%dma_wait3A_135] : memref<6400xi32, #tpu.memory_space<vmem>> -> memref<800xi32, #tpu.memory_space<vmem>>
          %dma_wait3A_137 = arith.constant 0 : i32
          %dma_wait3A_138 = arith.constant 0 : i32
          %dma_wait3A_139 = tpu.memref_slice %arg2[%dma_wait3A_137, %dma_wait3A_138] : memref<50000x16xf32, #tpu.memory_space<hbm>> -> memref<50000x16xf32, #tpu.memory_space<hbm>>
          tpu.wait_indirect_dma semaphore(%arg16 : memref<!tpu.dma_semaphore, #tpu.memory_space<semaphore_mem>>) src(%dma_wait3A_139 : memref<50000x16xf32, #tpu.memory_space<hbm>>) dst(%arg12 : memref<800x16xf32, #tpu.memory_space<vmem>>)
          %dma_wait3A_140 = arith.constant 0 : i32
          %dma_wait3A_141 = tpu.memref_slice %arg9[%dma_wait3A_140] : memref<6400xi32, #tpu.memory_space<vmem>> -> memref<800xi32, #tpu.memory_space<vmem>>
          %dma_wait3A_142 = arith.constant 0 : i32
          %dma_wait3A_143 = arith.constant 0 : i32
          %dma_wait3A_144 = tpu.memref_slice %arg2[%dma_wait3A_142, %dma_wait3A_143] : memref<50000x16xf32, #tpu.memory_space<hbm>> -> memref<50000x16xf32, #tpu.memory_space<hbm>>
          tpu.wait_indirect_dma semaphore(%arg16 : memref<!tpu.dma_semaphore, #tpu.memory_space<semaphore_mem>>) src(%dma_wait3A_144 : memref<50000x16xf32, #tpu.memory_space<hbm>>) dst(%arg14 : memref<800x16xf32, #tpu.memory_space<vmem>>)
          %sub3A = arith.constant 1 : i32
          %sub3A_145 = arith.subi %add3A_86, %sub3A : i32
          %mul3A_146 = arith.constant 800 : i32
          %mul3A_147 = arith.muli %sub3A_145, %mul3A_146 : i32
          %add3A_148 = arith.addi %mul3A_2, %mul3A_147 : i32
          %dma_start3A_149 = arith.constant 0 : i32
          %dma_start3A_150 = tpu.memref_slice %arg5[%add3A_148, %dma_start3A_149] : memref<1638400x16xf32, #tpu.memory_space<hbm>> -> memref<800x16xf32, #tpu.memory_space<hbm>>
          %dma_start3A_151 = arith.constant 0 : i32
          %dma_start3A_152 = tpu.memref_slice %arg5[%add3A_148, %dma_start3A_151] : memref<1638400x16xf32, #tpu.memory_space<hbm>> -> memref<800x16xf32, #tpu.memory_space<hbm>>
          tpu.enqueue_dma source(%arg12 : memref<800x16xf32, #tpu.memory_space<vmem>>) target(%dma_start3A_152 : memref<800x16xf32, #tpu.memory_space<hbm>>) target_semaphore(%arg18 : memref<!tpu.dma_semaphore, #tpu.memory_space<semaphore_mem>>)
          %dma_start3A_153 = arith.constant 0 : i32
          %dma_start3A_154 = tpu.memref_slice %arg6[%add3A_148, %dma_start3A_153] : memref<1638400x16xf32, #tpu.memory_space<hbm>> -> memref<800x16xf32, #tpu.memory_space<hbm>>
          %dma_start3A_155 = arith.constant 0 : i32
          %dma_start3A_156 = tpu.memref_slice %arg6[%add3A_148, %dma_start3A_155] : memref<1638400x16xf32, #tpu.memory_space<hbm>> -> memref<800x16xf32, #tpu.memory_space<hbm>>
          tpu.enqueue_dma source(%arg14 : memref<800x16xf32, #tpu.memory_space<vmem>>) target(%dma_start3A_156 : memref<800x16xf32, #tpu.memory_space<hbm>>) target_semaphore(%arg18 : memref<!tpu.dma_semaphore, #tpu.memory_space<semaphore_mem>>)
        } else {
        }
        %mul3A_106 = arith.constant 2 : i32
        %mul3A_107 = arith.muli %scan3A_79, %mul3A_106 : i32
        %add3A_108 = arith.constant 1 : i32
        %add3A_109 = arith.addi %mul3A_107, %add3A_108 : i32
        %mul3A_110 = arith.constant 8 : i32
        %mul3A_111 = arith.muli %add3A_54, %mul3A_110 : i32
        %add3A_112 = arith.addi %mul3A_111, %add3A_109 : i32
        %ge3A_113 = arith.constant 2 : i32
        %ge3A_114 = arith.cmpi sge, %add3A_112, %ge3A_113 : i32
        %convert_element_type3A_115 = arith.extui %ge3A_114 : i1 to i32
        %cond3A_116 = arith.constant 0 : i32
        %cond3A_117 = arith.cmpi ne, %convert_element_type3A_115, %cond3A_116 : i32
        scf.if %cond3A_117 {
          %dma_wait3A_135 = arith.constant 0 : i32
          %dma_wait3A_136 = arith.constant 0 : i32
          %dma_wait3A_137 = tpu.memref_slice %arg5[%dma_wait3A_135, %dma_wait3A_136] : memref<1638400x16xf32, #tpu.memory_space<hbm>> -> memref<800x16xf32, #tpu.memory_space<hbm>>
          %dma_wait3A_138 = arith.constant 0 : i32
          %dma_wait3A_139 = arith.constant 0 : i32
          %dma_wait3A_140 = tpu.memref_slice %arg5[%dma_wait3A_138, %dma_wait3A_139] : memref<1638400x16xf32, #tpu.memory_space<hbm>> -> memref<800x16xf32, #tpu.memory_space<hbm>>
          tpu.wait_dma2 semaphore(%arg18 : memref<!tpu.dma_semaphore, #tpu.memory_space<semaphore_mem>>) src(%arg12 : memref<800x16xf32, #tpu.memory_space<vmem>>) dst(%dma_wait3A_140 : memref<800x16xf32, #tpu.memory_space<hbm>>)
          %dma_wait3A_141 = arith.constant 0 : i32
          %dma_wait3A_142 = arith.constant 0 : i32
          %dma_wait3A_143 = tpu.memref_slice %arg6[%dma_wait3A_141, %dma_wait3A_142] : memref<1638400x16xf32, #tpu.memory_space<hbm>> -> memref<800x16xf32, #tpu.memory_space<hbm>>
          %dma_wait3A_144 = arith.constant 0 : i32
          %dma_wait3A_145 = arith.constant 0 : i32
          %dma_wait3A_146 = tpu.memref_slice %arg6[%dma_wait3A_144, %dma_wait3A_145] : memref<1638400x16xf32, #tpu.memory_space<hbm>> -> memref<800x16xf32, #tpu.memory_space<hbm>>
          tpu.wait_dma2 semaphore(%arg18 : memref<!tpu.dma_semaphore, #tpu.memory_space<semaphore_mem>>) src(%arg14 : memref<800x16xf32, #tpu.memory_space<vmem>>) dst(%dma_wait3A_146 : memref<800x16xf32, #tpu.memory_space<hbm>>)
        } else {
        }
        %mul3A_118 = arith.constant 800 : i32
        %mul3A_119 = arith.muli %add3A_109, %mul3A_118 : i32
        %dma_start3A_120 = tpu.memref_slice %arg7[%mul3A_119] : memref<6400xi32, #tpu.memory_space<vmem>> -> memref<800xi32, #tpu.memory_space<vmem>>
        %dma_start3A_121 = arith.constant 0 : i32
        %dma_start3A_122 = arith.constant 0 : i32
        %dma_start3A_123 = tpu.memref_slice %arg2[%dma_start3A_121, %dma_start3A_122] : memref<50000x16xf32, #tpu.memory_space<hbm>> -> memref<50000x16xf32, #tpu.memory_space<hbm>>
        tpu.enqueue_indirect_dma source(%dma_start3A_123 : memref<50000x16xf32, #tpu.memory_space<hbm>>) target(%arg12 : memref<800x16xf32, #tpu.memory_space<vmem>>) offsets(%dma_start3A_120 : memref<800xi32, #tpu.memory_space<vmem>>) semaphore(%arg16 : memref<!tpu.dma_semaphore, #tpu.memory_space<semaphore_mem>>)
        %mul3A_124 = arith.constant 800 : i32
        %mul3A_125 = arith.muli %add3A_109, %mul3A_124 : i32
        %dma_start3A_126 = tpu.memref_slice %arg9[%mul3A_125] : memref<6400xi32, #tpu.memory_space<vmem>> -> memref<800xi32, #tpu.memory_space<vmem>>
        %dma_start3A_127 = arith.constant 0 : i32
        %dma_start3A_128 = arith.constant 0 : i32
        %dma_start3A_129 = tpu.memref_slice %arg2[%dma_start3A_127, %dma_start3A_128] : memref<50000x16xf32, #tpu.memory_space<hbm>> -> memref<50000x16xf32, #tpu.memory_space<hbm>>
        tpu.enqueue_indirect_dma source(%dma_start3A_129 : memref<50000x16xf32, #tpu.memory_space<hbm>>) target(%arg14 : memref<800x16xf32, #tpu.memory_space<vmem>>) offsets(%dma_start3A_126 : memref<800xi32, #tpu.memory_space<vmem>>) semaphore(%arg16 : memref<!tpu.dma_semaphore, #tpu.memory_space<semaphore_mem>>)
        %ge3A_130 = arith.constant 1 : i32
        %ge3A_131 = arith.cmpi sge, %add3A_112, %ge3A_130 : i32
        %convert_element_type3A_132 = arith.extui %ge3A_131 : i1 to i32
        %cond3A_133 = arith.constant 0 : i32
        %cond3A_134 = arith.cmpi ne, %convert_element_type3A_132, %cond3A_133 : i32
        scf.if %cond3A_134 {
          %dma_wait3A_135 = arith.constant 0 : i32
          %dma_wait3A_136 = tpu.memref_slice %arg7[%dma_wait3A_135] : memref<6400xi32, #tpu.memory_space<vmem>> -> memref<800xi32, #tpu.memory_space<vmem>>
          %dma_wait3A_137 = arith.constant 0 : i32
          %dma_wait3A_138 = arith.constant 0 : i32
          %dma_wait3A_139 = tpu.memref_slice %arg2[%dma_wait3A_137, %dma_wait3A_138] : memref<50000x16xf32, #tpu.memory_space<hbm>> -> memref<50000x16xf32, #tpu.memory_space<hbm>>
          tpu.wait_indirect_dma semaphore(%arg15 : memref<!tpu.dma_semaphore, #tpu.memory_space<semaphore_mem>>) src(%dma_wait3A_139 : memref<50000x16xf32, #tpu.memory_space<hbm>>) dst(%arg11 : memref<800x16xf32, #tpu.memory_space<vmem>>)
          %dma_wait3A_140 = arith.constant 0 : i32
          %dma_wait3A_141 = tpu.memref_slice %arg9[%dma_wait3A_140] : memref<6400xi32, #tpu.memory_space<vmem>> -> memref<800xi32, #tpu.memory_space<vmem>>
          %dma_wait3A_142 = arith.constant 0 : i32
          %dma_wait3A_143 = arith.constant 0 : i32
          %dma_wait3A_144 = tpu.memref_slice %arg2[%dma_wait3A_142, %dma_wait3A_143] : memref<50000x16xf32, #tpu.memory_space<hbm>> -> memref<50000x16xf32, #tpu.memory_space<hbm>>
          tpu.wait_indirect_dma semaphore(%arg15 : memref<!tpu.dma_semaphore, #tpu.memory_space<semaphore_mem>>) src(%dma_wait3A_144 : memref<50000x16xf32, #tpu.memory_space<hbm>>) dst(%arg13 : memref<800x16xf32, #tpu.memory_space<vmem>>)
          %sub3A = arith.constant 1 : i32
          %sub3A_145 = arith.subi %add3A_112, %sub3A : i32
          %mul3A_146 = arith.constant 800 : i32
          %mul3A_147 = arith.muli %sub3A_145, %mul3A_146 : i32
          %add3A_148 = arith.addi %mul3A_2, %mul3A_147 : i32
          %dma_start3A_149 = arith.constant 0 : i32
          %dma_start3A_150 = tpu.memref_slice %arg5[%add3A_148, %dma_start3A_149] : memref<1638400x16xf32, #tpu.memory_space<hbm>> -> memref<800x16xf32, #tpu.memory_space<hbm>>
          %dma_start3A_151 = arith.constant 0 : i32
          %dma_start3A_152 = tpu.memref_slice %arg5[%add3A_148, %dma_start3A_151] : memref<1638400x16xf32, #tpu.memory_space<hbm>> -> memref<800x16xf32, #tpu.memory_space<hbm>>
          tpu.enqueue_dma source(%arg11 : memref<800x16xf32, #tpu.memory_space<vmem>>) target(%dma_start3A_152 : memref<800x16xf32, #tpu.memory_space<hbm>>) target_semaphore(%arg17 : memref<!tpu.dma_semaphore, #tpu.memory_space<semaphore_mem>>)
          %dma_start3A_153 = arith.constant 0 : i32
          %dma_start3A_154 = tpu.memref_slice %arg6[%add3A_148, %dma_start3A_153] : memref<1638400x16xf32, #tpu.memory_space<hbm>> -> memref<800x16xf32, #tpu.memory_space<hbm>>
          %dma_start3A_155 = arith.constant 0 : i32
          %dma_start3A_156 = tpu.memref_slice %arg6[%add3A_148, %dma_start3A_155] : memref<1638400x16xf32, #tpu.memory_space<hbm>> -> memref<800x16xf32, #tpu.memory_space<hbm>>
          tpu.enqueue_dma source(%arg13 : memref<800x16xf32, #tpu.memory_space<vmem>>) target(%dma_start3A_156 : memref<800x16xf32, #tpu.memory_space<hbm>>) target_semaphore(%arg17 : memref<!tpu.dma_semaphore, #tpu.memory_space<semaphore_mem>>)
        } else {
        }
      }
      %scan3A_64 = arith.constant 4 : i32
      %mul3A_65 = arith.constant 2 : i32
      %mul3A_66 = arith.muli %scan3A_50, %mul3A_65 : i32
      %add3A_67 = arith.constant 1 : i32
      %add3A_68 = arith.addi %mul3A_66, %add3A_67 : i32
      %mul3A_69 = arith.constant 6400 : i32
      %mul3A_70 = arith.muli %add3A_68, %mul3A_69 : i32
      "tpu.region"() ({
        %run_scoped3A = tpu.sem_alloc : memref<!tpu.dma_semaphore, #tpu.memory_space<semaphore_mem>>
        %dma_start3A_79 = tpu.memref_slice %arg3[%add3A, %mul3A_70] : memref<32x51200xi32, #tpu.memory_space<hbm>> -> memref<1x6400xi32, #tpu.memory_space<hbm>>
        %dma_start3A_80 = tpu.memref_squeeze %dma_start3A_79 : memref<1x6400xi32, #tpu.memory_space<hbm>> -> memref<6400xi32, #tpu.memory_space<hbm>>
        %dma_start3A_81 = tpu.memref_slice %arg3[%add3A, %mul3A_70] : memref<32x51200xi32, #tpu.memory_space<hbm>> -> memref<1x6400xi32, #tpu.memory_space<hbm>>
        %dma_start3A_82 = tpu.memref_squeeze %dma_start3A_81 : memref<1x6400xi32, #tpu.memory_space<hbm>> -> memref<6400xi32, #tpu.memory_space<hbm>>
        tpu.enqueue_dma source(%dma_start3A_82 : memref<6400xi32, #tpu.memory_space<hbm>>) target(%arg8 : memref<6400xi32, #tpu.memory_space<vmem>>) target_semaphore(%run_scoped3A : memref<!tpu.dma_semaphore, #tpu.memory_space<semaphore_mem>>)
        %dma_wait3A_83 = tpu.memref_slice %arg3[%add3A, %mul3A_70] : memref<32x51200xi32, #tpu.memory_space<hbm>> -> memref<1x6400xi32, #tpu.memory_space<hbm>>
        %dma_wait3A_84 = tpu.memref_squeeze %dma_wait3A_83 : memref<1x6400xi32, #tpu.memory_space<hbm>> -> memref<6400xi32, #tpu.memory_space<hbm>>
        %dma_wait3A_85 = tpu.memref_slice %arg3[%add3A, %mul3A_70] : memref<32x51200xi32, #tpu.memory_space<hbm>> -> memref<1x6400xi32, #tpu.memory_space<hbm>>
        %dma_wait3A_86 = tpu.memref_squeeze %dma_wait3A_85 : memref<1x6400xi32, #tpu.memory_space<hbm>> -> memref<6400xi32, #tpu.memory_space<hbm>>
        tpu.wait_dma2 semaphore(%run_scoped3A : memref<!tpu.dma_semaphore, #tpu.memory_space<semaphore_mem>>) src(%dma_wait3A_86 : memref<6400xi32, #tpu.memory_space<hbm>>) dst(%arg8 : memref<6400xi32, #tpu.memory_space<vmem>>)
        tpu.yield
      }) : () -> ()
      %mul3A_71 = arith.constant 6400 : i32
      %mul3A_72 = arith.muli %add3A_68, %mul3A_71 : i32
      "tpu.region"() ({
        %run_scoped3A = tpu.sem_alloc : memref<!tpu.dma_semaphore, #tpu.memory_space<semaphore_mem>>
        %dma_start3A_79 = tpu.memref_slice %arg4[%add3A, %mul3A_72] : memref<32x51200xi32, #tpu.memory_space<hbm>> -> memref<1x6400xi32, #tpu.memory_space<hbm>>
        %dma_start3A_80 = tpu.memref_squeeze %dma_start3A_79 : memref<1x6400xi32, #tpu.memory_space<hbm>> -> memref<6400xi32, #tpu.memory_space<hbm>>
        %dma_start3A_81 = tpu.memref_slice %arg4[%add3A, %mul3A_72] : memref<32x51200xi32, #tpu.memory_space<hbm>> -> memref<1x6400xi32, #tpu.memory_space<hbm>>
        %dma_start3A_82 = tpu.memref_squeeze %dma_start3A_81 : memref<1x6400xi32, #tpu.memory_space<hbm>> -> memref<6400xi32, #tpu.memory_space<hbm>>
        tpu.enqueue_dma source(%dma_start3A_82 : memref<6400xi32, #tpu.memory_space<hbm>>) target(%arg10 : memref<6400xi32, #tpu.memory_space<vmem>>) target_semaphore(%run_scoped3A : memref<!tpu.dma_semaphore, #tpu.memory_space<semaphore_mem>>)
        %dma_wait3A_83 = tpu.memref_slice %arg4[%add3A, %mul3A_72] : memref<32x51200xi32, #tpu.memory_space<hbm>> -> memref<1x6400xi32, #tpu.memory_space<hbm>>
        %dma_wait3A_84 = tpu.memref_squeeze %dma_wait3A_83 : memref<1x6400xi32, #tpu.memory_space<hbm>> -> memref<6400xi32, #tpu.memory_space<hbm>>
        %dma_wait3A_85 = tpu.memref_slice %arg4[%add3A, %mul3A_72] : memref<32x51200xi32, #tpu.memory_space<hbm>> -> memref<1x6400xi32, #tpu.memory_space<hbm>>
        %dma_wait3A_86 = tpu.memref_squeeze %dma_wait3A_85 : memref<1x6400xi32, #tpu.memory_space<hbm>> -> memref<6400xi32, #tpu.memory_space<hbm>>
        tpu.wait_dma2 semaphore(%run_scoped3A : memref<!tpu.dma_semaphore, #tpu.memory_space<semaphore_mem>>) src(%dma_wait3A_86 : memref<6400xi32, #tpu.memory_space<hbm>>) dst(%arg10 : memref<6400xi32, #tpu.memory_space<vmem>>)
        tpu.yield
      }) : () -> ()
      %scan3A_73 = arith.constant 0 : i32
      %scan3A_74 = arith.constant 0 : i32
      %scan3A_75 = arith.constant 4 : i32
      %scan3A_76 = arith.addi %scan3A_74, %scan3A_75 : i32
      %scan3A_77 = arith.constant 1 : i32
      scf.for %scan3A_79 = %scan3A_74 to %scan3A_76 step %scan3A_77  : i32 {
        %mul3A_80 = arith.constant 2 : i32
        %mul3A_81 = arith.muli %scan3A_79, %mul3A_80 : i32
        %add3A_82 = arith.constant 0 : i32
        %add3A_83 = arith.addi %mul3A_81, %add3A_82 : i32
        %mul3A_84 = arith.constant 8 : i32
        %mul3A_85 = arith.muli %add3A_68, %mul3A_84 : i32
        %add3A_86 = arith.addi %mul3A_85, %add3A_83 : i32
        %ge3A = arith.constant 2 : i32
        %ge3A_87 = arith.cmpi sge, %add3A_86, %ge3A : i32
        %convert_element_type3A = arith.extui %ge3A_87 : i1 to i32
        %cond3A = arith.constant 0 : i32
        %cond3A_88 = arith.cmpi ne, %convert_element_type3A, %cond3A : i32
        scf.if %cond3A_88 {
          %dma_wait3A_135 = arith.constant 0 : i32
          %dma_wait3A_136 = arith.constant 0 : i32
          %dma_wait3A_137 = tpu.memref_slice %arg5[%dma_wait3A_135, %dma_wait3A_136] : memref<1638400x16xf32, #tpu.memory_space<hbm>> -> memref<800x16xf32, #tpu.memory_space<hbm>>
          %dma_wait3A_138 = arith.constant 0 : i32
          %dma_wait3A_139 = arith.constant 0 : i32
          %dma_wait3A_140 = tpu.memref_slice %arg5[%dma_wait3A_138, %dma_wait3A_139] : memref<1638400x16xf32, #tpu.memory_space<hbm>> -> memref<800x16xf32, #tpu.memory_space<hbm>>
          tpu.wait_dma2 semaphore(%arg17 : memref<!tpu.dma_semaphore, #tpu.memory_space<semaphore_mem>>) src(%arg11 : memref<800x16xf32, #tpu.memory_space<vmem>>) dst(%dma_wait3A_140 : memref<800x16xf32, #tpu.memory_space<hbm>>)
          %dma_wait3A_141 = arith.constant 0 : i32
          %dma_wait3A_142 = arith.constant 0 : i32
          %dma_wait3A_143 = tpu.memref_slice %arg6[%dma_wait3A_141, %dma_wait3A_142] : memref<1638400x16xf32, #tpu.memory_space<hbm>> -> memref<800x16xf32, #tpu.memory_space<hbm>>
          %dma_wait3A_144 = arith.constant 0 : i32
          %dma_wait3A_145 = arith.constant 0 : i32
          %dma_wait3A_146 = tpu.memref_slice %arg6[%dma_wait3A_144, %dma_wait3A_145] : memref<1638400x16xf32, #tpu.memory_space<hbm>> -> memref<800x16xf32, #tpu.memory_space<hbm>>
          tpu.wait_dma2 semaphore(%arg17 : memref<!tpu.dma_semaphore, #tpu.memory_space<semaphore_mem>>) src(%arg13 : memref<800x16xf32, #tpu.memory_space<vmem>>) dst(%dma_wait3A_146 : memref<800x16xf32, #tpu.memory_space<hbm>>)
        } else {
        }
        %mul3A_89 = arith.constant 800 : i32
        %mul3A_90 = arith.muli %add3A_83, %mul3A_89 : i32
        %dma_start3A_91 = tpu.memref_slice %arg8[%mul3A_90] : memref<6400xi32, #tpu.memory_space<vmem>> -> memref<800xi32, #tpu.memory_space<vmem>>
        %dma_start3A_92 = arith.constant 0 : i32
        %dma_start3A_93 = arith.constant 0 : i32
        %dma_start3A_94 = tpu.memref_slice %arg2[%dma_start3A_92, %dma_start3A_93] : memref<50000x16xf32, #tpu.memory_space<hbm>> -> memref<50000x16xf32, #tpu.memory_space<hbm>>
        tpu.enqueue_indirect_dma source(%dma_start3A_94 : memref<50000x16xf32, #tpu.memory_space<hbm>>) target(%arg11 : memref<800x16xf32, #tpu.memory_space<vmem>>) offsets(%dma_start3A_91 : memref<800xi32, #tpu.memory_space<vmem>>) semaphore(%arg15 : memref<!tpu.dma_semaphore, #tpu.memory_space<semaphore_mem>>)
        %mul3A_95 = arith.constant 800 : i32
        %mul3A_96 = arith.muli %add3A_83, %mul3A_95 : i32
        %dma_start3A_97 = tpu.memref_slice %arg10[%mul3A_96] : memref<6400xi32, #tpu.memory_space<vmem>> -> memref<800xi32, #tpu.memory_space<vmem>>
        %dma_start3A_98 = arith.constant 0 : i32
        %dma_start3A_99 = arith.constant 0 : i32
        %dma_start3A_100 = tpu.memref_slice %arg2[%dma_start3A_98, %dma_start3A_99] : memref<50000x16xf32, #tpu.memory_space<hbm>> -> memref<50000x16xf32, #tpu.memory_space<hbm>>
        tpu.enqueue_indirect_dma source(%dma_start3A_100 : memref<50000x16xf32, #tpu.memory_space<hbm>>) target(%arg13 : memref<800x16xf32, #tpu.memory_space<vmem>>) offsets(%dma_start3A_97 : memref<800xi32, #tpu.memory_space<vmem>>) semaphore(%arg15 : memref<!tpu.dma_semaphore, #tpu.memory_space<semaphore_mem>>)
        %ge3A_101 = arith.constant 1 : i32
        %ge3A_102 = arith.cmpi sge, %add3A_86, %ge3A_101 : i32
        %convert_element_type3A_103 = arith.extui %ge3A_102 : i1 to i32
        %cond3A_104 = arith.constant 0 : i32
        %cond3A_105 = arith.cmpi ne, %convert_element_type3A_103, %cond3A_104 : i32
        scf.if %cond3A_105 {
          %dma_wait3A_135 = arith.constant 0 : i32
          %dma_wait3A_136 = tpu.memref_slice %arg7[%dma_wait3A_135] : memref<6400xi32, #tpu.memory_space<vmem>> -> memref<800xi32, #tpu.memory_space<vmem>>
          %dma_wait3A_137 = arith.constant 0 : i32
          %dma_wait3A_138 = arith.constant 0 : i32
          %dma_wait3A_139 = tpu.memref_slice %arg2[%dma_wait3A_137, %dma_wait3A_138] : memref<50000x16xf32, #tpu.memory_space<hbm>> -> memref<50000x16xf32, #tpu.memory_space<hbm>>
          tpu.wait_indirect_dma semaphore(%arg16 : memref<!tpu.dma_semaphore, #tpu.memory_space<semaphore_mem>>) src(%dma_wait3A_139 : memref<50000x16xf32, #tpu.memory_space<hbm>>) dst(%arg12 : memref<800x16xf32, #tpu.memory_space<vmem>>)
          %dma_wait3A_140 = arith.constant 0 : i32
          %dma_wait3A_141 = tpu.memref_slice %arg9[%dma_wait3A_140] : memref<6400xi32, #tpu.memory_space<vmem>> -> memref<800xi32, #tpu.memory_space<vmem>>
          %dma_wait3A_142 = arith.constant 0 : i32
          %dma_wait3A_143 = arith.constant 0 : i32
          %dma_wait3A_144 = tpu.memref_slice %arg2[%dma_wait3A_142, %dma_wait3A_143] : memref<50000x16xf32, #tpu.memory_space<hbm>> -> memref<50000x16xf32, #tpu.memory_space<hbm>>
          tpu.wait_indirect_dma semaphore(%arg16 : memref<!tpu.dma_semaphore, #tpu.memory_space<semaphore_mem>>) src(%dma_wait3A_144 : memref<50000x16xf32, #tpu.memory_space<hbm>>) dst(%arg14 : memref<800x16xf32, #tpu.memory_space<vmem>>)
          %sub3A = arith.constant 1 : i32
          %sub3A_145 = arith.subi %add3A_86, %sub3A : i32
          %mul3A_146 = arith.constant 800 : i32
          %mul3A_147 = arith.muli %sub3A_145, %mul3A_146 : i32
          %add3A_148 = arith.addi %mul3A_2, %mul3A_147 : i32
          %dma_start3A_149 = arith.constant 0 : i32
          %dma_start3A_150 = tpu.memref_slice %arg5[%add3A_148, %dma_start3A_149] : memref<1638400x16xf32, #tpu.memory_space<hbm>> -> memref<800x16xf32, #tpu.memory_space<hbm>>
          %dma_start3A_151 = arith.constant 0 : i32
          %dma_start3A_152 = tpu.memref_slice %arg5[%add3A_148, %dma_start3A_151] : memref<1638400x16xf32, #tpu.memory_space<hbm>> -> memref<800x16xf32, #tpu.memory_space<hbm>>
          tpu.enqueue_dma source(%arg12 : memref<800x16xf32, #tpu.memory_space<vmem>>) target(%dma_start3A_152 : memref<800x16xf32, #tpu.memory_space<hbm>>) target_semaphore(%arg18 : memref<!tpu.dma_semaphore, #tpu.memory_space<semaphore_mem>>)
          %dma_start3A_153 = arith.constant 0 : i32
          %dma_start3A_154 = tpu.memref_slice %arg6[%add3A_148, %dma_start3A_153] : memref<1638400x16xf32, #tpu.memory_space<hbm>> -> memref<800x16xf32, #tpu.memory_space<hbm>>
          %dma_start3A_155 = arith.constant 0 : i32
          %dma_start3A_156 = tpu.memref_slice %arg6[%add3A_148, %dma_start3A_155] : memref<1638400x16xf32, #tpu.memory_space<hbm>> -> memref<800x16xf32, #tpu.memory_space<hbm>>
          tpu.enqueue_dma source(%arg14 : memref<800x16xf32, #tpu.memory_space<vmem>>) target(%dma_start3A_156 : memref<800x16xf32, #tpu.memory_space<hbm>>) target_semaphore(%arg18 : memref<!tpu.dma_semaphore, #tpu.memory_space<semaphore_mem>>)
        } else {
        }
        %mul3A_106 = arith.constant 2 : i32
        %mul3A_107 = arith.muli %scan3A_79, %mul3A_106 : i32
        %add3A_108 = arith.constant 1 : i32
        %add3A_109 = arith.addi %mul3A_107, %add3A_108 : i32
        %mul3A_110 = arith.constant 8 : i32
        %mul3A_111 = arith.muli %add3A_68, %mul3A_110 : i32
        %add3A_112 = arith.addi %mul3A_111, %add3A_109 : i32
        %ge3A_113 = arith.constant 2 : i32
        %ge3A_114 = arith.cmpi sge, %add3A_112, %ge3A_113 : i32
        %convert_element_type3A_115 = arith.extui %ge3A_114 : i1 to i32
        %cond3A_116 = arith.constant 0 : i32
        %cond3A_117 = arith.cmpi ne, %convert_element_type3A_115, %cond3A_116 : i32
        scf.if %cond3A_117 {
          %dma_wait3A_135 = arith.constant 0 : i32
          %dma_wait3A_136 = arith.constant 0 : i32
          %dma_wait3A_137 = tpu.memref_slice %arg5[%dma_wait3A_135, %dma_wait3A_136] : memref<1638400x16xf32, #tpu.memory_space<hbm>> -> memref<800x16xf32, #tpu.memory_space<hbm>>
          %dma_wait3A_138 = arith.constant 0 : i32
          %dma_wait3A_139 = arith.constant 0 : i32
          %dma_wait3A_140 = tpu.memref_slice %arg5[%dma_wait3A_138, %dma_wait3A_139] : memref<1638400x16xf32, #tpu.memory_space<hbm>> -> memref<800x16xf32, #tpu.memory_space<hbm>>
          tpu.wait_dma2 semaphore(%arg18 : memref<!tpu.dma_semaphore, #tpu.memory_space<semaphore_mem>>) src(%arg12 : memref<800x16xf32, #tpu.memory_space<vmem>>) dst(%dma_wait3A_140 : memref<800x16xf32, #tpu.memory_space<hbm>>)
          %dma_wait3A_141 = arith.constant 0 : i32
          %dma_wait3A_142 = arith.constant 0 : i32
          %dma_wait3A_143 = tpu.memref_slice %arg6[%dma_wait3A_141, %dma_wait3A_142] : memref<1638400x16xf32, #tpu.memory_space<hbm>> -> memref<800x16xf32, #tpu.memory_space<hbm>>
          %dma_wait3A_144 = arith.constant 0 : i32
          %dma_wait3A_145 = arith.constant 0 : i32
          %dma_wait3A_146 = tpu.memref_slice %arg6[%dma_wait3A_144, %dma_wait3A_145] : memref<1638400x16xf32, #tpu.memory_space<hbm>> -> memref<800x16xf32, #tpu.memory_space<hbm>>
          tpu.wait_dma2 semaphore(%arg18 : memref<!tpu.dma_semaphore, #tpu.memory_space<semaphore_mem>>) src(%arg14 : memref<800x16xf32, #tpu.memory_space<vmem>>) dst(%dma_wait3A_146 : memref<800x16xf32, #tpu.memory_space<hbm>>)
        } else {
        }
        %mul3A_118 = arith.constant 800 : i32
        %mul3A_119 = arith.muli %add3A_109, %mul3A_118 : i32
        %dma_start3A_120 = tpu.memref_slice %arg8[%mul3A_119] : memref<6400xi32, #tpu.memory_space<vmem>> -> memref<800xi32, #tpu.memory_space<vmem>>
        %dma_start3A_121 = arith.constant 0 : i32
        %dma_start3A_122 = arith.constant 0 : i32
        %dma_start3A_123 = tpu.memref_slice %arg2[%dma_start3A_121, %dma_start3A_122] : memref<50000x16xf32, #tpu.memory_space<hbm>> -> memref<50000x16xf32, #tpu.memory_space<hbm>>
        tpu.enqueue_indirect_dma source(%dma_start3A_123 : memref<50000x16xf32, #tpu.memory_space<hbm>>) target(%arg12 : memref<800x16xf32, #tpu.memory_space<vmem>>) offsets(%dma_start3A_120 : memref<800xi32, #tpu.memory_space<vmem>>) semaphore(%arg16 : memref<!tpu.dma_semaphore, #tpu.memory_space<semaphore_mem>>)
        %mul3A_124 = arith.constant 800 : i32
        %mul3A_125 = arith.muli %add3A_109, %mul3A_124 : i32
        %dma_start3A_126 = tpu.memref_slice %arg10[%mul3A_125] : memref<6400xi32, #tpu.memory_space<vmem>> -> memref<800xi32, #tpu.memory_space<vmem>>
        %dma_start3A_127 = arith.constant 0 : i32
        %dma_start3A_128 = arith.constant 0 : i32
        %dma_start3A_129 = tpu.memref_slice %arg2[%dma_start3A_127, %dma_start3A_128] : memref<50000x16xf32, #tpu.memory_space<hbm>> -> memref<50000x16xf32, #tpu.memory_space<hbm>>
        tpu.enqueue_indirect_dma source(%dma_start3A_129 : memref<50000x16xf32, #tpu.memory_space<hbm>>) target(%arg14 : memref<800x16xf32, #tpu.memory_space<vmem>>) offsets(%dma_start3A_126 : memref<800xi32, #tpu.memory_space<vmem>>) semaphore(%arg16 : memref<!tpu.dma_semaphore, #tpu.memory_space<semaphore_mem>>)
        %ge3A_130 = arith.constant 1 : i32
        %ge3A_131 = arith.cmpi sge, %add3A_112, %ge3A_130 : i32
        %convert_element_type3A_132 = arith.extui %ge3A_131 : i1 to i32
        %cond3A_133 = arith.constant 0 : i32
        %cond3A_134 = arith.cmpi ne, %convert_element_type3A_132, %cond3A_133 : i32
        scf.if %cond3A_134 {
          %dma_wait3A_135 = arith.constant 0 : i32
          %dma_wait3A_136 = tpu.memref_slice %arg7[%dma_wait3A_135] : memref<6400xi32, #tpu.memory_space<vmem>> -> memref<800xi32, #tpu.memory_space<vmem>>
          %dma_wait3A_137 = arith.constant 0 : i32
          %dma_wait3A_138 = arith.constant 0 : i32
          %dma_wait3A_139 = tpu.memref_slice %arg2[%dma_wait3A_137, %dma_wait3A_138] : memref<50000x16xf32, #tpu.memory_space<hbm>> -> memref<50000x16xf32, #tpu.memory_space<hbm>>
          tpu.wait_indirect_dma semaphore(%arg15 : memref<!tpu.dma_semaphore, #tpu.memory_space<semaphore_mem>>) src(%dma_wait3A_139 : memref<50000x16xf32, #tpu.memory_space<hbm>>) dst(%arg11 : memref<800x16xf32, #tpu.memory_space<vmem>>)
          %dma_wait3A_140 = arith.constant 0 : i32
          %dma_wait3A_141 = tpu.memref_slice %arg9[%dma_wait3A_140] : memref<6400xi32, #tpu.memory_space<vmem>> -> memref<800xi32, #tpu.memory_space<vmem>>
          %dma_wait3A_142 = arith.constant 0 : i32
          %dma_wait3A_143 = arith.constant 0 : i32
          %dma_wait3A_144 = tpu.memref_slice %arg2[%dma_wait3A_142, %dma_wait3A_143] : memref<50000x16xf32, #tpu.memory_space<hbm>> -> memref<50000x16xf32, #tpu.memory_space<hbm>>
          tpu.wait_indirect_dma semaphore(%arg15 : memref<!tpu.dma_semaphore, #tpu.memory_space<semaphore_mem>>) src(%dma_wait3A_144 : memref<50000x16xf32, #tpu.memory_space<hbm>>) dst(%arg13 : memref<800x16xf32, #tpu.memory_space<vmem>>)
          %sub3A = arith.constant 1 : i32
          %sub3A_145 = arith.subi %add3A_112, %sub3A : i32
          %mul3A_146 = arith.constant 800 : i32
          %mul3A_147 = arith.muli %sub3A_145, %mul3A_146 : i32
          %add3A_148 = arith.addi %mul3A_2, %mul3A_147 : i32
          %dma_start3A_149 = arith.constant 0 : i32
          %dma_start3A_150 = tpu.memref_slice %arg5[%add3A_148, %dma_start3A_149] : memref<1638400x16xf32, #tpu.memory_space<hbm>> -> memref<800x16xf32, #tpu.memory_space<hbm>>
          %dma_start3A_151 = arith.constant 0 : i32
          %dma_start3A_152 = tpu.memref_slice %arg5[%add3A_148, %dma_start3A_151] : memref<1638400x16xf32, #tpu.memory_space<hbm>> -> memref<800x16xf32, #tpu.memory_space<hbm>>
          tpu.enqueue_dma source(%arg11 : memref<800x16xf32, #tpu.memory_space<vmem>>) target(%dma_start3A_152 : memref<800x16xf32, #tpu.memory_space<hbm>>) target_semaphore(%arg17 : memref<!tpu.dma_semaphore, #tpu.memory_space<semaphore_mem>>)
          %dma_start3A_153 = arith.constant 0 : i32
          %dma_start3A_154 = tpu.memref_slice %arg6[%add3A_148, %dma_start3A_153] : memref<1638400x16xf32, #tpu.memory_space<hbm>> -> memref<800x16xf32, #tpu.memory_space<hbm>>
          %dma_start3A_155 = arith.constant 0 : i32
          %dma_start3A_156 = tpu.memref_slice %arg6[%add3A_148, %dma_start3A_155] : memref<1638400x16xf32, #tpu.memory_space<hbm>> -> memref<800x16xf32, #tpu.memory_space<hbm>>
          tpu.enqueue_dma source(%arg13 : memref<800x16xf32, #tpu.memory_space<vmem>>) target(%dma_start3A_156 : memref<800x16xf32, #tpu.memory_space<hbm>>) target_semaphore(%arg17 : memref<!tpu.dma_semaphore, #tpu.memory_space<semaphore_mem>>)
        } else {
        }
      }
      %scan3A_78 = arith.constant 4 : i32
    }
    %scan3A_7 = arith.constant 4 : i32
    %dma_wait3A = arith.constant 0 : i32
    %dma_wait3A_8 = tpu.memref_slice %arg7[%dma_wait3A] : memref<6400xi32, #tpu.memory_space<vmem>> -> memref<800xi32, #tpu.memory_space<vmem>>
    %dma_wait3A_9 = arith.constant 0 : i32
    %dma_wait3A_10 = arith.constant 0 : i32
    %dma_wait3A_11 = tpu.memref_slice %arg2[%dma_wait3A_9, %dma_wait3A_10] : memref<50000x16xf32, #tpu.memory_space<hbm>> -> memref<50000x16xf32, #tpu.memory_space<hbm>>
    tpu.wait_indirect_dma semaphore(%arg16 : memref<!tpu.dma_semaphore, #tpu.memory_space<semaphore_mem>>) src(%dma_wait3A_11 : memref<50000x16xf32, #tpu.memory_space<hbm>>) dst(%arg12 : memref<800x16xf32, #tpu.memory_space<vmem>>)
    %dma_wait3A_12 = arith.constant 0 : i32
    %dma_wait3A_13 = tpu.memref_slice %arg9[%dma_wait3A_12] : memref<6400xi32, #tpu.memory_space<vmem>> -> memref<800xi32, #tpu.memory_space<vmem>>
    %dma_wait3A_14 = arith.constant 0 : i32
    %dma_wait3A_15 = arith.constant 0 : i32
    %dma_wait3A_16 = tpu.memref_slice %arg2[%dma_wait3A_14, %dma_wait3A_15] : memref<50000x16xf32, #tpu.memory_space<hbm>> -> memref<50000x16xf32, #tpu.memory_space<hbm>>
    tpu.wait_indirect_dma semaphore(%arg16 : memref<!tpu.dma_semaphore, #tpu.memory_space<semaphore_mem>>) src(%dma_wait3A_16 : memref<50000x16xf32, #tpu.memory_space<hbm>>) dst(%arg14 : memref<800x16xf32, #tpu.memory_space<vmem>>)
    %add3A_17 = arith.constant 50400 : i32
    %add3A_18 = arith.addi %mul3A_2, %add3A_17 : i32
    %dma_start3A = arith.constant 0 : i32
    %dma_start3A_19 = tpu.memref_slice %arg5[%add3A_18, %dma_start3A] : memref<1638400x16xf32, #tpu.memory_space<hbm>> -> memref<800x16xf32, #tpu.memory_space<hbm>>
    %dma_start3A_20 = arith.constant 0 : i32
    %dma_start3A_21 = tpu.memref_slice %arg5[%add3A_18, %dma_start3A_20] : memref<1638400x16xf32, #tpu.memory_space<hbm>> -> memref<800x16xf32, #tpu.memory_space<hbm>>
    tpu.enqueue_dma source(%arg12 : memref<800x16xf32, #tpu.memory_space<vmem>>) target(%dma_start3A_21 : memref<800x16xf32, #tpu.memory_space<hbm>>) target_semaphore(%arg18 : memref<!tpu.dma_semaphore, #tpu.memory_space<semaphore_mem>>)
    %dma_start3A_22 = arith.constant 0 : i32
    %dma_start3A_23 = tpu.memref_slice %arg6[%add3A_18, %dma_start3A_22] : memref<1638400x16xf32, #tpu.memory_space<hbm>> -> memref<800x16xf32, #tpu.memory_space<hbm>>
    %dma_start3A_24 = arith.constant 0 : i32
    %dma_start3A_25 = tpu.memref_slice %arg6[%add3A_18, %dma_start3A_24] : memref<1638400x16xf32, #tpu.memory_space<hbm>> -> memref<800x16xf32, #tpu.memory_space<hbm>>
    tpu.enqueue_dma source(%arg14 : memref<800x16xf32, #tpu.memory_space<vmem>>) target(%dma_start3A_25 : memref<800x16xf32, #tpu.memory_space<hbm>>) target_semaphore(%arg18 : memref<!tpu.dma_semaphore, #tpu.memory_space<semaphore_mem>>)
    %dma_wait3A_26 = arith.constant 0 : i32
    %dma_wait3A_27 = arith.constant 0 : i32
    %dma_wait3A_28 = tpu.memref_slice %arg5[%dma_wait3A_26, %dma_wait3A_27] : memref<1638400x16xf32, #tpu.memory_space<hbm>> -> memref<800x16xf32, #tpu.memory_space<hbm>>
    %dma_wait3A_29 = arith.constant 0 : i32
    %dma_wait3A_30 = arith.constant 0 : i32
    %dma_wait3A_31 = tpu.memref_slice %arg5[%dma_wait3A_29, %dma_wait3A_30] : memref<1638400x16xf32, #tpu.memory_space<hbm>> -> memref<800x16xf32, #tpu.memory_space<hbm>>
    tpu.wait_dma2 semaphore(%arg17 : memref<!tpu.dma_semaphore, #tpu.memory_space<semaphore_mem>>) src(%arg11 : memref<800x16xf32, #tpu.memory_space<vmem>>) dst(%dma_wait3A_31 : memref<800x16xf32, #tpu.memory_space<hbm>>)
    %dma_wait3A_32 = arith.constant 0 : i32
    %dma_wait3A_33 = arith.constant 0 : i32
    %dma_wait3A_34 = tpu.memref_slice %arg6[%dma_wait3A_32, %dma_wait3A_33] : memref<1638400x16xf32, #tpu.memory_space<hbm>> -> memref<800x16xf32, #tpu.memory_space<hbm>>
    %dma_wait3A_35 = arith.constant 0 : i32
    %dma_wait3A_36 = arith.constant 0 : i32
    %dma_wait3A_37 = tpu.memref_slice %arg6[%dma_wait3A_35, %dma_wait3A_36] : memref<1638400x16xf32, #tpu.memory_space<hbm>> -> memref<800x16xf32, #tpu.memory_space<hbm>>
    tpu.wait_dma2 semaphore(%arg17 : memref<!tpu.dma_semaphore, #tpu.memory_space<semaphore_mem>>) src(%arg13 : memref<800x16xf32, #tpu.memory_space<vmem>>) dst(%dma_wait3A_37 : memref<800x16xf32, #tpu.memory_space<hbm>>)
    %dma_wait3A_38 = arith.constant 0 : i32
    %dma_wait3A_39 = arith.constant 0 : i32
    %dma_wait3A_40 = tpu.memref_slice %arg5[%dma_wait3A_38, %dma_wait3A_39] : memref<1638400x16xf32, #tpu.memory_space<hbm>> -> memref<800x16xf32, #tpu.memory_space<hbm>>
    %dma_wait3A_41 = arith.constant 0 : i32
    %dma_wait3A_42 = arith.constant 0 : i32
    %dma_wait3A_43 = tpu.memref_slice %arg5[%dma_wait3A_41, %dma_wait3A_42] : memref<1638400x16xf32, #tpu.memory_space<hbm>> -> memref<800x16xf32, #tpu.memory_space<hbm>>
    tpu.wait_dma2 semaphore(%arg18 : memref<!tpu.dma_semaphore, #tpu.memory_space<semaphore_mem>>) src(%arg12 : memref<800x16xf32, #tpu.memory_space<vmem>>) dst(%dma_wait3A_43 : memref<800x16xf32, #tpu.memory_space<hbm>>)
    %dma_wait3A_44 = arith.constant 0 : i32
    %dma_wait3A_45 = arith.constant 0 : i32
    %dma_wait3A_46 = tpu.memref_slice %arg6[%dma_wait3A_44, %dma_wait3A_45] : memref<1638400x16xf32, #tpu.memory_space<hbm>> -> memref<800x16xf32, #tpu.memory_space<hbm>>
    %dma_wait3A_47 = arith.constant 0 : i32
    %dma_wait3A_48 = arith.constant 0 : i32
    %dma_wait3A_49 = tpu.memref_slice %arg6[%dma_wait3A_47, %dma_wait3A_48] : memref<1638400x16xf32, #tpu.memory_space<hbm>> -> memref<800x16xf32, #tpu.memory_space<hbm>>
    tpu.wait_dma2 semaphore(%arg18 : memref<!tpu.dma_semaphore, #tpu.memory_space<semaphore_mem>>) src(%arg14 : memref<800x16xf32, #tpu.memory_space<vmem>>) dst(%dma_wait3A_49 : memref<800x16xf32, #tpu.memory_space<hbm>>)
    return
  }
}

module attributes {stable_mosaic.version = 14 : i64} {
  func.func @_mlp_body(%arg0: i32, %arg1: memref<3200x3xf32, #tpu.memory_space<vmem>>, %arg2: memref<3200x16xf32, #tpu.memory_space<vmem>>, %arg3: memref<3200x16xf32, #tpu.memory_space<vmem>>, %arg4: memref<64x4xf32, #tpu.memory_space<vmem>>, %arg5: memref<1x64xf32, #tpu.memory_space<vmem>>, %arg6: memref<64x64xf32, #tpu.memory_space<vmem>>, %arg7: memref<1x64xf32, #tpu.memory_space<vmem>>, %arg8: memref<1x64xf32, #tpu.memory_space<vmem>>, %arg9: memref<1x1xf32, #tpu.memory_space<vmem>>, %arg10: memref<3200x1xf32, #tpu.memory_space<vmem>>, %arg11: memref<3200x1xf32, #tpu.memory_space<vmem>>) attributes {dimension_semantics = [#tpu.dimension_semantics<arbitrary>], iteration_bounds = array<i64: 500>, scalar_prefetch = 0 : i64, scratch_operands = 0 : i64, tpu.core_type = #tpu.core_type<tc>, window_params = [{transform_indices = @transform_0, window_bounds = array<i64: 3200, 3>}, {transform_indices = @transform_1, window_bounds = array<i64: 3200, 16>}, {transform_indices = @transform_2, window_bounds = array<i64: 3200, 16>}, {pipeline_mode = #tpu.pipeline_mode<synchronous>, transform_indices = @transform_3, window_bounds = array<i64: 64, 4>}, {pipeline_mode = #tpu.pipeline_mode<synchronous>, transform_indices = @transform_4, window_bounds = array<i64: 1, 64>}, {pipeline_mode = #tpu.pipeline_mode<synchronous>, transform_indices = @transform_5, window_bounds = array<i64: 64, 64>}, {pipeline_mode = #tpu.pipeline_mode<synchronous>, transform_indices = @transform_6, window_bounds = array<i64: 1, 64>}, {pipeline_mode = #tpu.pipeline_mode<synchronous>, transform_indices = @transform_7, window_bounds = array<i64: 1, 64>}, {pipeline_mode = #tpu.pipeline_mode<synchronous>, transform_indices = @transform_8, window_bounds = array<i64: 1, 1>}, {transform_indices = @transform_9, window_bounds = array<i64: 3200, 1>}, {transform_indices = @transform_10, window_bounds = array<i64: 3200, 1>}]} {
    %get3A = arith.constant 0 : index
    %get3A_0 = arith.constant 0 : index
    %get3A_1 = vector.load %arg1[%get3A, %get3A_0] : memref<3200x3xf32, #tpu.memory_space<vmem>>, vector<3200x3xf32>
    %get3A_2 = arith.constant 0 : index
    %get3A_3 = arith.constant 0 : index
    %get3A_4 = vector.load %arg2[%get3A_2, %get3A_3] : memref<3200x16xf32, #tpu.memory_space<vmem>>, vector<3200x4xf32>
    %get3A_5 = arith.constant 0 : index
    %get3A_6 = arith.constant 0 : index
    %get3A_7 = vector.load %arg3[%get3A_5, %get3A_6] : memref<3200x16xf32, #tpu.memory_space<vmem>>, vector<3200x4xf32>
    %sub3A = arith.subf %get3A_4, %get3A_7 : vector<3200x4xf32>
    %get3A_8 = arith.constant 0 : index
    %get3A_9 = arith.constant 0 : index
    %get3A_10 = vector.load %arg4[%get3A_8, %get3A_9] : memref<64x4xf32, #tpu.memory_space<vmem>>, vector<64x4xf32>
    %get3A_11 = arith.constant 0 : index
    %get3A_12 = arith.constant 0 : index
    %get3A_13 = vector.load %arg5[%get3A_11, %get3A_12] : memref<1x64xf32, #tpu.memory_space<vmem>>, vector<1x64xf32>
    %get3A_14 = arith.constant 0 : index
    %get3A_15 = arith.constant 0 : index
    %get3A_16 = vector.load %arg6[%get3A_14, %get3A_15] : memref<64x64xf32, #tpu.memory_space<vmem>>, vector<64x64xf32>
    %get3A_17 = arith.constant 0 : index
    %get3A_18 = arith.constant 0 : index
    %get3A_19 = vector.load %arg7[%get3A_17, %get3A_18] : memref<1x64xf32, #tpu.memory_space<vmem>>, vector<1x64xf32>
    %get3A_20 = arith.constant 0 : index
    %get3A_21 = arith.constant 0 : index
    %get3A_22 = vector.load %arg8[%get3A_20, %get3A_21] : memref<1x64xf32, #tpu.memory_space<vmem>>, vector<1x64xf32>
    %get3A_23 = arith.constant 0 : index
    %get3A_24 = arith.constant 0 : index
    %get3A_25 = vector.load %arg9[%get3A_23, %get3A_24] : memref<1x1xf32, #tpu.memory_space<vmem>>, vector<1x1xf32>
    %get3A_26 = vector.extract %get3A_25[0, 0] : f32 from vector<1x1xf32>
    %mul3A = arith.mulf %get3A_1, %get3A_1 : vector<3200x3xf32>
    %reduce_sum3A = arith.constant dense<0.000000e+00> : vector<3200xf32>
    %reduce_sum3A_27 = vector.multi_reduction <add>, %mul3A, %reduce_sum3A [1] : vector<3200x3xf32> to vector<3200xf32>
    %broadcast_in_dim3A = vector.shape_cast %reduce_sum3A_27 : vector<3200xf32> to vector<3200x1xf32>
    %sqrt3A = math.sqrt %broadcast_in_dim3A : vector<3200x1xf32>
    %mul3A_28 = arith.constant 2.000000e+00 : f32
    %mul3A_29 = vector.broadcast %mul3A_28 : f32 to vector<3200x1xf32>
    %mul3A_30 = arith.mulf %sqrt3A, %mul3A_29 : vector<3200x1xf32>
    %slice3A = vector.extract_strided_slice %get3A_10 {offsets = [0, 0], sizes = [64, 1], strides = [1, 1]} : vector<64x4xf32> to vector<64x1xf32>
    %transpose3A = tpu.transpose %slice3A, [1, 0] : vector<64x1xf32> -> vector<1x64xf32>
    %slice3A_31 = vector.extract_strided_slice %get3A_10 {offsets = [0, 1], sizes = [64, 3], strides = [1, 1]} : vector<64x4xf32> to vector<64x3xf32>
    %mul3A_32 = vector.broadcast %mul3A_30 : vector<3200x1xf32> to vector<3200x64xf32>
    %mul3A_33 = vector.broadcast %transpose3A : vector<1x64xf32> to vector<3200x64xf32>
    %mul3A_34 = arith.mulf %mul3A_32, %mul3A_33 : vector<3200x64xf32>
    %add3A = vector.broadcast %get3A_13 : vector<1x64xf32> to vector<3200x64xf32>
    %add3A_35 = arith.addf %mul3A_34, %add3A : vector<3200x64xf32>
    %slice3A_36 = vector.extract_strided_slice %sub3A {offsets = [0, 0], sizes = [3200, 3], strides = [1, 1]} : vector<3200x4xf32> to vector<3200x3xf32>
    %dot_general3A = arith.constant dense<0.000000e+00> : vector<3200x64xf32>
    %dot_general3A_37 = tpu.matmul %slice3A_36, %slice3A_31, %dot_general3A {dimension_numbers = #tpu.dot_dimension_numbers<[1], [1], [0], [0], [0, 0, 1, 0], [], []>, transpose_lhs_hint = false} : vector<3200x3xf32>, vector<64x3xf32>, vector<3200x64xf32> -> vector<3200x64xf32>
    %add3A_38 = arith.addf %add3A_35, %dot_general3A_37 : vector<3200x64xf32>
    %logistic3A = arith.negf %add3A_38 : vector<3200x64xf32>
    %logistic3A_39 = math.exp %logistic3A : vector<3200x64xf32>
    %logistic3A_40 = arith.constant 1.000000e+00 : f32
    %logistic3A_41 = vector.broadcast %logistic3A_40 : f32 to vector<3200x64xf32>
    %logistic3A_42 = arith.addf %logistic3A_41, %logistic3A_39 : vector<3200x64xf32>
    %logistic3A_43 = arith.divf %logistic3A_41, %logistic3A_42 : vector<3200x64xf32>
    %mul3A_44 = arith.mulf %add3A_38, %logistic3A_43 : vector<3200x64xf32>
    %sub3A_45 = arith.subf %add3A_35, %dot_general3A_37 : vector<3200x64xf32>
    %logistic3A_46 = arith.negf %sub3A_45 : vector<3200x64xf32>
    %logistic3A_47 = math.exp %logistic3A_46 : vector<3200x64xf32>
    %logistic3A_48 = arith.constant 1.000000e+00 : f32
    %logistic3A_49 = vector.broadcast %logistic3A_48 : f32 to vector<3200x64xf32>
    %logistic3A_50 = arith.addf %logistic3A_49, %logistic3A_47 : vector<3200x64xf32>
    %logistic3A_51 = arith.divf %logistic3A_49, %logistic3A_50 : vector<3200x64xf32>
    %mul3A_52 = arith.mulf %sub3A_45, %logistic3A_51 : vector<3200x64xf32>
    %dot_general3A_53 = arith.constant dense<0.000000e+00> : vector<3200x64xf32>
    %dot_general3A_54 = tpu.matmul %mul3A_44, %get3A_16, %dot_general3A_53 {dimension_numbers = #tpu.dot_dimension_numbers<[1], [1], [0], [0], [0, 0, 1, 0], [], []>, transpose_lhs_hint = false} : vector<3200x64xf32>, vector<64x64xf32>, vector<3200x64xf32> -> vector<3200x64xf32>
    %add3A_55 = vector.broadcast %get3A_19 : vector<1x64xf32> to vector<3200x64xf32>
    %add3A_56 = arith.addf %dot_general3A_54, %add3A_55 : vector<3200x64xf32>
    %logistic3A_57 = arith.negf %add3A_56 : vector<3200x64xf32>
    %logistic3A_58 = math.exp %logistic3A_57 : vector<3200x64xf32>
    %logistic3A_59 = arith.constant 1.000000e+00 : f32
    %logistic3A_60 = vector.broadcast %logistic3A_59 : f32 to vector<3200x64xf32>
    %logistic3A_61 = arith.addf %logistic3A_60, %logistic3A_58 : vector<3200x64xf32>
    %logistic3A_62 = arith.divf %logistic3A_60, %logistic3A_61 : vector<3200x64xf32>
    %mul3A_63 = arith.mulf %add3A_56, %logistic3A_62 : vector<3200x64xf32>
    %dot_general3A_64 = arith.constant dense<0.000000e+00> : vector<3200x64xf32>
    %dot_general3A_65 = tpu.matmul %mul3A_52, %get3A_16, %dot_general3A_64 {dimension_numbers = #tpu.dot_dimension_numbers<[1], [1], [0], [0], [0, 0, 1, 0], [], []>, transpose_lhs_hint = false} : vector<3200x64xf32>, vector<64x64xf32>, vector<3200x64xf32> -> vector<3200x64xf32>
    %add3A_66 = vector.broadcast %get3A_19 : vector<1x64xf32> to vector<3200x64xf32>
    %add3A_67 = arith.addf %dot_general3A_65, %add3A_66 : vector<3200x64xf32>
    %logistic3A_68 = arith.negf %add3A_67 : vector<3200x64xf32>
    %logistic3A_69 = math.exp %logistic3A_68 : vector<3200x64xf32>
    %logistic3A_70 = arith.constant 1.000000e+00 : f32
    %logistic3A_71 = vector.broadcast %logistic3A_70 : f32 to vector<3200x64xf32>
    %logistic3A_72 = arith.addf %logistic3A_71, %logistic3A_69 : vector<3200x64xf32>
    %logistic3A_73 = arith.divf %logistic3A_71, %logistic3A_72 : vector<3200x64xf32>
    %mul3A_74 = arith.mulf %add3A_67, %logistic3A_73 : vector<3200x64xf32>
    %mul3A_75 = vector.broadcast %get3A_22 : vector<1x64xf32> to vector<3200x64xf32>
    %mul3A_76 = arith.mulf %mul3A_63, %mul3A_75 : vector<3200x64xf32>
    %reduce_sum3A_77 = arith.constant dense<0.000000e+00> : vector<3200xf32>
    %reduce_sum3A_78 = vector.multi_reduction <add>, %mul3A_76, %reduce_sum3A_77 [1] : vector<3200x64xf32> to vector<3200xf32>
    %broadcast_in_dim3A_79 = vector.shape_cast %reduce_sum3A_78 : vector<3200xf32> to vector<3200x1xf32>
    %add3A_80 = vector.broadcast %get3A_26 : f32 to vector<3200x1xf32>
    %add3A_81 = arith.addf %broadcast_in_dim3A_79, %add3A_80 : vector<3200x1xf32>
    %swap3A = arith.constant 0 : index
    %swap3A_82 = arith.constant 0 : index
    %swap3A_83 = vector.load %arg10[%swap3A, %swap3A_82] : memref<3200x1xf32, #tpu.memory_space<vmem>>, vector<3200x1xf32>
    tpu.vector_store %arg10[%swap3A, %swap3A_82], %add3A_81 {strides = array<i32>} : memref<3200x1xf32, #tpu.memory_space<vmem>>, vector<3200x1xf32>,
    %mul3A_84 = vector.broadcast %get3A_22 : vector<1x64xf32> to vector<3200x64xf32>
    %mul3A_85 = arith.mulf %mul3A_74, %mul3A_84 : vector<3200x64xf32>
    %reduce_sum3A_86 = arith.constant dense<0.000000e+00> : vector<3200xf32>
    %reduce_sum3A_87 = vector.multi_reduction <add>, %mul3A_85, %reduce_sum3A_86 [1] : vector<3200x64xf32> to vector<3200xf32>
    %broadcast_in_dim3A_88 = vector.shape_cast %reduce_sum3A_87 : vector<3200xf32> to vector<3200x1xf32>
    %add3A_89 = vector.broadcast %get3A_26 : f32 to vector<3200x1xf32>
    %add3A_90 = arith.addf %broadcast_in_dim3A_88, %add3A_89 : vector<3200x1xf32>
    %swap3A_91 = arith.constant 0 : index
    %swap3A_92 = arith.constant 0 : index
    %swap3A_93 = vector.load %arg11[%swap3A_91, %swap3A_92] : memref<3200x1xf32, #tpu.memory_space<vmem>>, vector<3200x1xf32>
    tpu.vector_store %arg11[%swap3A_91, %swap3A_92], %add3A_90 {strides = array<i32>} : memref<3200x1xf32, #tpu.memory_space<vmem>>, vector<3200x1xf32>,
    return
  }
  func.func @transform_0(%arg0: i32) -> (i32, i32) {
    %c0_i32 = arith.constant 0 : i32
    %c0_i32_0 = arith.constant 0 : i32
    return %arg0, %c0_i32 : i32, i32
  }
  func.func @transform_1(%arg0: i32) -> (i32, i32) {
    %c0_i32 = arith.constant 0 : i32
    %c0_i32_0 = arith.constant 0 : i32
    return %arg0, %c0_i32 : i32, i32
  }
  func.func @transform_2(%arg0: i32) -> (i32, i32) {
    %c0_i32 = arith.constant 0 : i32
    %c0_i32_0 = arith.constant 0 : i32
    return %arg0, %c0_i32 : i32, i32
  }
  func.func @transform_3(%arg0: i32) -> (i32, i32) {
    %c0_i32 = arith.constant 0 : i32
    %c0_i32_0 = arith.constant 0 : i32
    %c0_i32_1 = arith.constant 0 : i32
    return %c0_i32, %c0_i32_0 : i32, i32
  }
  func.func @transform_4(%arg0: i32) -> (i32, i32) {
    %c0_i32 = arith.constant 0 : i32
    %c0_i32_0 = arith.constant 0 : i32
    %c0_i32_1 = arith.constant 0 : i32
    return %c0_i32, %c0_i32_0 : i32, i32
  }
  func.func @transform_5(%arg0: i32) -> (i32, i32) {
    %c0_i32 = arith.constant 0 : i32
    %c0_i32_0 = arith.constant 0 : i32
    %c0_i32_1 = arith.constant 0 : i32
    return %c0_i32, %c0_i32_0 : i32, i32
  }
  func.func @transform_6(%arg0: i32) -> (i32, i32) {
    %c0_i32 = arith.constant 0 : i32
    %c0_i32_0 = arith.constant 0 : i32
    %c0_i32_1 = arith.constant 0 : i32
    return %c0_i32, %c0_i32_0 : i32, i32
  }
  func.func @transform_7(%arg0: i32) -> (i32, i32) {
    %c0_i32 = arith.constant 0 : i32
    %c0_i32_0 = arith.constant 0 : i32
    %c0_i32_1 = arith.constant 0 : i32
    return %c0_i32, %c0_i32_0 : i32, i32
  }
  func.func @transform_8(%arg0: i32) -> (i32, i32) {
    %c0_i32 = arith.constant 0 : i32
    %c0_i32_0 = arith.constant 0 : i32
    %c0_i32_1 = arith.constant 0 : i32
    return %c0_i32, %c0_i32_0 : i32, i32
  }
  func.func @transform_9(%arg0: i32) -> (i32, i32) {
    %c0_i32 = arith.constant 0 : i32
    %c0_i32_0 = arith.constant 0 : i32
    return %arg0, %c0_i32 : i32, i32
  }
  func.func @transform_10(%arg0: i32) -> (i32, i32) {
    %c0_i32 = arith.constant 0 : i32
    %c0_i32_0 = arith.constant 0 : i32
    return %arg0, %c0_i32 : i32, i32
  }
}

</mosaic_0001>

<sc_bundles>
// kernel: kernel.5.cloned.1.call-start
scs
__scs_entry_jumppad:
0x0: {  	(pc) =	sbr.rel $0x88, $3  }
0x1: {  	(tag) =	ssettag $0x0;
	lr =	simm.s32 $0x1  }
0x2: {  	[smem:$0x3F98] =	sst lr;
	_ =	strace $0xD0000000  }
0x3: {  	_ = 	snop  }
0x4: {  	_ = 	snop  }
0x5: {  	_ = 	snop  }
0x6: {  	_ = 	snop  }
0x7: {  	_ = 	snop  }
__scs_overlays_trampoline_lowered:
0x8: {  	[smem:$0x3FA7] =	sst s0  }
0x9: {  	[smem:$0x3FA8] =	sst s1  }
0xa: {  	[smem:$0x3FA9] =	sst s2  }
0xb: {  	[smem:$0x3FAA] =	sst s3  }
0xc: {  	[smem:$0x3FAB] =	sst s4  }
0xd: {  	[smem:$0x3FAC] =	sst s5  }
0xe: {  	[smem:$0x3FAD] =	sst s6  }
0xf: {  	[smem:$0x3FAE] =	sst s7  }
0x10: {  	[smem:$0x3FAF] =	sst s8  }
0x11: {  	[smem:$0x3FB0] =	sst s9;
	s0 =	simm.s32 @!p0 $0x0  }
0x12: {  	s1 =	sld [smem:$0x3F96];
	s0 =	simm.s32 @p0 $0x1  }
0x13: {  	[smem:$0x3FB1] =	sst s0;
	s0 =	simm.s32 @!p1 $0x0  }
0x14: {  	s2 =	sld [smem:$0x3F95];
	s0 =	simm.s32 @p1 $0x1  }
0x15: {  	[smem:$0x3FB2] =	sst s0;
	s0 =	simm.s32 @!p2 $0x0  }
0x16: {  	s3 =	sld [smem:$0x3FDB];
	s0 =	simm.s32 @p2 $0x1  }
0x17: {  	s4 =	simm.s32 $0x1BF5;
	[smem:$0x3FB4] =	sst s0  }
0x18: {  	s0 =	sld [smem:$0x3F97];
	_ =	swait.ge [sflag:s4], $0x0  }
0x19: {  	s7 =	sld [smem:$0x3F98]  }
0x1a: {  	s8 =	sadd.s32 $0xFFFFE003, lr  }
0x1b: {  	s9 =	sadd.s32 $0xFFFFFEF7, lr;
	s5 =	simm.s32 $0xFFFFFFFF;
	p2 =	slt.u32 s8, $0xFFFFF086  }
0x1c: {  	p1 =	slt.u32 s9, $0xF7A;
	s5 =	simm.s32 @!p2 $0x0  }
0x1d: {  	s5 =	simm.s32 @p1 $0x1;
	p0 =	seq.s32 s7, s2  }
0x1e: {  	s7 =	smul.u32 @!p0 $0xF7A, s2;
	p2 =	seq.s32 @!p0 s5, $0x0  }
0x1f: {  	s9 =	smul.u32 $0xF7A, s1;
	s8 =	simm.s32 @!p0 $0x1BF5;
	p2 =	por !p2, p0  }
0x20: {  	[sflag:s8] =	ssyncset.s32 @!p0 $0xFFFFF086;
	s6 =	sadd.s32 @!p0 s3, s7;
	s7 =	simm.s32 @!p0 $0x108  }
0x21: {  	s3 =	sadd.s32 s3, s9;
	s6 =	sadd.s32 @!p0 $0x88, s6;
	s7 =	simm.s32 @p2 $0x1082  }
0x22: {  	[simem:s7], [sflag:s8] =	dma.local @!p0 [hbm:s6], $0xF7A  }
0x23: {  	s9 =	sor.u32 $0xD0000000, s2;
	s6 =	simm.s32 $0x108;
	_ =	swait.ge @!p0 [sflag:s8], $0x0  }
0x24: {  	s3 =	sadd.s32 $0x88, s3;
	s6 =	simm.s32 @!p1 $0x1082;
	[sflag:s4] =	ssyncset.s32 $0xFFFFF086  }
0x25: {  	[simem:s6], [sflag:s4] =	dma.local [hbm:s3], $0xF7A  }
0x26: {  	[smem:$0x3F98] =	sst s1;
	(tag) =	ssettag s2;
	_ =	strace s9  }
0x27: {  	s1 =	sld [smem:$0x3FA8]  }
0x28: {  	s2 =	sld [smem:$0x3FA9]  }
0x29: {  	s4 =	sld [smem:$0x3FAB]  }
0x2a: {  	p0 =	seq.s32 s5, $0x0;
	s5 =	sld [smem:$0x3FAC]  }
0x2b: {  	s6 =	sld [smem:$0x3FAD]  }
0x2c: {  	s7 =	sld [smem:$0x3FAE]  }
0x2d: {  	s3 =	simm.s32 $0x108;
	s8 =	sld [smem:$0x3FAF]  }
0x2e: {  	s3 =	simm.s32 @!p0 $0x1082;
	s9 =	sld [smem:$0x3FB0]  }
0x2f: {  	lr =	sadd.s32 s0, s3;
	s0 =	sld [smem:$0x3FA7]  }
0x30: {  	s3 =	sld [smem:$0x3FAA]  }
0x31: {  	[smem:$0x3FB3] =	sst s10  }
0x32: {  	s10 =	sld [smem:$0x3FB1];
	_ =	sdelay $0x3  }
0x33: {  	p0 =	seq.s32 s10, $0x1;
	s10 =	sld [smem:$0x3FB3];
	_ =	sdelay $0x3  }
0x34: {  	[smem:$0x3FB3] =	sst s10  }
0x35: {  	s10 =	sld [smem:$0x3FB2];
	_ =	sdelay $0x3  }
0x36: {  	p1 =	seq.s32 s10, $0x1;
	s10 =	sld [smem:$0x3FB3];
	_ =	sdelay $0x3  }
0x37: {  	[smem:$0x3FB3] =	sst s10  }
0x38: {  	s10 =	sld [smem:$0x3FB4]  }
0x39: {  	_ = 	snop;
	(pc) =	sbr.ind lr, $3  }
0x3a: {  	_ = 	snop  }
0x3b: {  	_ = 	snop  }
0x3c: {  	p2 =	seq.s32 s10, $0x1;
	s10 =	sld [smem:$0x3FB3]  }
0x3d: {  	_ =	shalt  }
0x3e: {  	_ =	shalt  }
0x3f: {  	_ =	shalt  }
0x40: {  	_ =	shalt  }
0x41: {  	_ =	shalt  }
0x42: {  	_ =	shalt  }
0x43: {  	_ =	shalt  }
0x44: {  	_ =	shalt  }
0x45: {  	_ =	shalt  }
0x46: {  	_ =	shalt  }
0x47: {  	_ =	shalt  }
0x48: {  	_ =	shalt  }
0x49: {  	_ =	shalt  }
0x4a: {  	_ =	shalt  }
0x4b: {  	_ =	shalt  }
0x4c: {  	_ =	shalt  }
0x4d: {  	_ =	shalt  }
0x4e: {  	_ =	shalt  }
0x4f: {  	_ =	shalt  }
0x50: {  	_ =	shalt  }
0x51: {  	_ =	shalt  }
0x52: {  	_ =	shalt  }
0x53: {  	_ =	shalt  }
0x54: {  	_ =	shalt  }
0x55: {  	_ =	shalt  }
0x56: {  	_ =	shalt  }
0x57: {  	_ =	shalt  }
0x58: {  	_ =	shalt  }
0x59: {  	_ =	shalt  }
0x5a: {  	_ =	shalt  }
0x5b: {  	_ =	shalt  }
0x5c: {  	_ =	shalt  }
0x5d: {  	_ =	shalt  }
0x5e: {  	_ =	shalt  }
0x5f: {  	_ =	shalt  }
0x60: {  	_ =	shalt  }
0x61: {  	_ =	shalt  }
0x62: {  	_ =	shalt  }
0x63: {  	_ =	shalt  }
0x64: {  	_ =	shalt  }
0x65: {  	_ =	shalt  }
0x66: {  	_ =	shalt  }
0x67: {  	_ =	shalt  }
0x68: {  	_ =	shalt  }
0x69: {  	_ =	shalt  }
0x6a: {  	_ =	shalt  }
0x6b: {  	_ =	shalt  }
0x6c: {  	_ =	shalt  }
0x6d: {  	_ =	shalt  }
0x6e: {  	_ =	shalt  }
0x6f: {  	_ =	shalt  }
0x70: {  	_ =	shalt  }
0x71: {  	_ =	shalt  }
0x72: {  	_ =	shalt  }
0x73: {  	_ =	shalt  }
0x74: {  	_ =	shalt  }
0x75: {  	_ =	shalt  }
0x76: {  	_ =	shalt  }
0x77: {  	_ =	shalt  }
0x78: {  	_ =	shalt  }
0x79: {  	_ =	shalt  }
0x7a: {  	_ =	shalt  }
0x7b: {  	_ =	shalt  }
0x7c: {  	_ =	shalt  }
0x7d: {  	_ =	shalt  }
0x7e: {  	_ =	shalt  }
0x7f: {  	_ =	shalt  }
0x80: {  	_ =	shalt  }
0x81: {  	_ =	shalt  }
0x82: {  	_ =	shalt  }
0x83: {  	_ =	shalt  }
0x84: {  	_ =	shalt  }
0x85: {  	_ =	shalt  }
0x86: {  	_ =	shalt  }
0x87: {  	_ =	shalt  }
.Lfunc_end0:
.L_simem_size_0:
called_computation_lowered:
.L_overlay_start_0:
0x88: {  	s2 =	sld [smem:$0x3FD9]  }
0x89: {  	s3 =	sld [smem:$0x3FFE];
	_ =	sdelay $0x1  }
0x8a: {  	s1 =	srdreg.scid  }
0x8b: {  	s0 =	sand.u32 $0x1, s1  }
0x8c: {  	s16 =	sshll.u32 s0, $0xA;
	s2 =	sadd.s32 s3, s2  }
0x8d: {  	s2 =	sadd.s32 s2, s16  }
0x8e: {  	[smem:$0x3FBF] =	sst s2  }
0x8f: {  	_ = 	snop  }
0x90: {  	(tm) =	ssettm $0x1  }
0x91: {  	s17 =	sld [smem:$0x3FFB];
	_ =	sdelay $0x3  }
0x92: {  	_ =	strace s17  }
0x93: {  	s2 =	sld [smem:$0x3FFC];
	_ =	sdelay $0x3  }
0x94: {  	_ =	strace s2  }
0x95: {  	s2 =	sld [smem:$0x3FFD];
	_ =	sdelay $0x3  }
0x96: {  	_ =	strace s2  }
0x97: {  	_ =	strace $0x8FFFFFFF  }
0x98: {  	s18 =	sld [smem:$0x3FDB];
	_ =	sdelay $0x1  }
0x99: {  	s19 =	simm.s32 $_scs_section_size  }
0x9a: {  	s4 =	simm.s32 $_size__tile_overlayer_lowered;
	s5 =	simm.s32 $_tile_overlayer_lowered  }
0x9b: {  	s22 =	simm.s32 $0x1BFF;
	s21 =	sshll.u32 s5, $0x1;
	s2 =	sadd.s32 s19, s18  }
0x9c: {  	s6 =	simm.s32 $0x0;
	s20 =	sshll.u32 s4, $0x1;
	s4 =	sadd.s32 s21, s2  }
0x9d: {  	[timem:s6], [sflag:s22] =	dma.local [hbm:s4], s20  }
0x9e: {  	_ =	swait.ge [sflag:s22], s20  }
0x9f: {  	s3 =	ssub.s32 $0x0, s20;
	[sflag:s22] =	ssyncset.done $0x0  }
0xa0: {  	[sflag:s22] =	ssyncadd.s32 s3;
	_ =	sdelay $0x1  }
0xa1: {  	s23 =	simm.s32 $0x1B8B  }
0xa2: {  	_ =	swait.ge [sflag:s23], $0x1  }
0xa3: {  	[sflag:s23] =	ssyncset.done $0x0  }
0xa4: {  	s25 =	simm.s32 $0x1B8E;
	s24 =	sld [smem:$0x3FFE];
	[sflag:s23] =	ssyncadd.s32 $0xFFFFFFFF  }
0xa5: {  	s26 =	simm.s32 $execute0_lowered;
	[smem:$0x3FD2] =	sst s25  }
0xa6: {  	s4 =	sshll.u32 s26, $0x1;
	_ =	strace $0x80000046;
	[dreg:$0x1] =	wrdreg $0xFFFFFFFF  }
0xa7: {  	s28 =	simm.s32 $_size_execute0_lowered;
	s2 =	sadd.s32 s2, s4;
	[dreg:$0x0] =	wrdreg $0x0  }
0xa8: {  	s4 =	sshll.u32 s28, $0x1;
	[dreg:$0x2] =	wrdreg s2  }
0xa9: {  	[dreg:$0x3] =	wrdreg s4  }
0xaa: {  	[dreg:$0x4] =	wrdreg $0xC0  }
0xab: {  	_ =	task [dreg:s6], $0x5FFFF  }
0xac: {  	[dreg:$0x1] =	wrdreg $0xFFFFFFFF  }
0xad: {  	[dreg:$0x0] =	wrdreg $0x60  }
0xae: {  	[dreg:$0x2] =	wrdreg s24  }
0xaf: {  	[dreg:$0x3] =	wrdreg $0x9  }
0xb0: {  	_ =	task.clear_ibuf [dreg:s6], $0x4FFFF;
	_ =	strace $0x90000046  }
0xb1: {  	s29 =	simm.s32 $0x9;
	_ =	strace $0x80000048  }
0xb2: {  	_ =	swait.ge [sflag:s29], $0x1  }
0xb3: {  	[sflag:s29] =	ssyncadd.s32 $0xFFFFFFFF  }
0xb4: {  	_ =	strace $0x90000048  }
0xb5: {  	_ =	sfence  }
0xb6: {  	s30 =	sld [smem:$0x0];
	_ =	sdelay $0x2  }
0xb7: {  	s31 =	sshll.u32 s1, $0xD;
	s1 =	sshrl.u32 s1, $0x2  }
0xb8: {  	s3 =	sand.u32 $0x4000, s31;
	s1 =	sadd.s32 s1, s30  }
0xb9: {  	s0 =	sor.u32 s3, s0;
	s1 =	sshll.u32 s1, $0x11  }
0xba: {  	s0 =	sor.u32 s1, s0  }
0xbb: {  	s0 =	sadd.s32 $0x8F2B, s0  }
0xbc: {  	[sflag:s0] =	ssyncadd.remote.s32 $0x1  }
0xbd: {  	_ =	sfence.sel $0xFFFF  }
0xbe: {  	[dreg:$0x0] =	wrdreg $0xFFFFFFFF;
	(pc) =	sbr.abs _section_cstart, $3  }
0xbf: {  	[dreg:$0x1] =	wrdreg $0xFFFFFFFF  }
0xc0: {  	_ =	task.clear_ibuf [dreg:s6], $0x2FFFF;
	_ =	strace $0x9FFFFFFF  }
0xc1: {  	(tm) =	ssettm $0x7FFFFFFF  }
tec
execute0_lowered:
.L_overlay_start_1:
0x0: {  	(tag) =	ssettag $0x1  }
0x1: {  	s0 =	rddreg [dreg:$0x0];
	s2 =	simm.s32 $0x0;
	s1 =	srdreg.scid  }
0x2: {  	s7 =	stileid.u32;
	s19 =	simm.s32 $0x320;
	s20 =	simm.s32 $0x9600  }
0x3: {  	s28 =	simm.s32 $0x3;
	[smem:$0x7FF] =	sst s2;
	s1 =	sand.u32 $0x1, s1  }
0x4: {  	s4 =	sshll.u32 s7, $0x1;
	s3 =	sadd.s32 $0xF6E00, s0;
	s12 =	sadd.s32 $0x34A00, s0  }
0x5: {  	s13 =	sadd.s32 $0x2A00, s0;
	s6 =	sadd.s32 $0x42F600, s0;
	s9 =	smul.u32 $0x19000, s7  }
0x6: {  	_ =	strace $0x80000047;
	s4 =	sor.u32 s1, s4;
	s8 =	ssub.s32 $0x2, s1  }
0x7: {  	s1 =	smul.u32 $0xC800, s1;
	[dreg:$0x2] =	wrdreg s12;
	s10 =	sshrl.u32 s8, $0x1  }
0x8: {  	s7 =	sadd.s32 $0x10F600, s0;
	[dreg:$0x3] =	wrdreg s13;
	s21 =	ssub.s32 s8, s10  }
0x9: {  	s8 =	smul.u32 $0xC800, s4;
	s1 =	sadd.s32 s1, s9;
	s0 =	smax.u32 s21, $0x1  }
0xa: {  	s5 =	smul.u32 $0xC8000, s4;
	s24 =	sshll.u32 s1, $0x1;
	[dreg:$0x7] =	wrdreg s0  }
0xb: {  	s29 =	simm.s32 $0x2;
	s1 =	sadd.s32 $0x1FFFF9C0, s24;
	[dreg:$0x4] =	wrdreg s8  }
0xc: {  	s5 =	sshrl.u32 s5, $0x3;
	s25 =	sadd.s32 s24, s6;
	[dreg:$0x8] =	wrdreg s1  }
0xd: {  	s5 =	sadd.s32 $0x189C0, s5;
	s31 =	sadd.s32 s24, s7;
	[dreg:$0x9] =	wrdreg s25  }
0xe: {  	s30 =	simm.s32 $0x4;
	s22 =	sadd.s32 s6, s5;
	[dreg:$0xa] =	wrdreg s31  }
0xf: {  	s26 =	sadd.s32 $0x20002BC0, s24;
	s23 =	sadd.s32 s7, s5;
	[dreg:$0x5] =	wrdreg s22  }
0x10: {  	s0 =	sadd.s32 $0x20003200, s24;
	s1 =	sand.u32 $0xFFFBC0, s26;
	[dreg:$0x6] =	wrdreg s23  }
0x11: {  	s10 =	simm.s32 $0x5;
	s0 =	sand.u32 $0xFFF200, s0;
	[dreg:$0xb] =	wrdreg s1  }
0x12: {  	s21 =	simm.s32 $0xFA00;
	s24 =	simm.s32 $0xC800;
	[dreg:$0xc] =	wrdreg s0  }
0x13: {  	s22 =	simm.s32 $0x1;
	s23 =	simm.s32 $0x6400;
	s1 =	simm.s32 $0x0  }
.LBB2_1:
0x14: {  	[dreg:$0xd] =	wrdreg s1  }
0x15: {  	s16 =	rddreg [dreg:$0xc]  }
0x16: {  	s15 =	rddreg [dreg:$0xb]  }
0x17: {  	s14 =	rddreg [dreg:$0xa]  }
0x18: {  	s4 =	rddreg [dreg:$0x9]  }
0x19: {  	s11 =	simm.s32 $0x0;
	s9 =	rddreg [dreg:$0x8];
	s17 =	simm.s32 $0x0  }
.LBB2_2:
0x1a: {  	s0 =	smul.u32 $0x3200, s17;
	_ =	sdelay $0x1  }
0x1b: {  	s0 =	sadd.s32 s8, s0  }
0x1c: {  	s0 =	sshrl.u32 s0, $0x3  }
0x1d: {  	[dreg:$0x11] =	wrdreg s17;
	s5 =	simm.s32 $0x0;
	s1 =	sadd.s32 s12, s0  }
0x1e: {  	[tilespmem:s5], [sflag:$0x5] =	stream.linear.gather [hbm4b:s1+s5], $0x1900, $0x38;
	[tilespmem:$0x12C00] =	vst v63  }
0x1f: {  	_ =	swait.ge [sflag:s10], $0x1900  }
0x20: {  	s18 =	simm.s32 $0x3200;
	[sflag:s10] =	ssyncset.done $0x0  }
0x21: {  	p1 =	seq.s32 s11, $0x0;
	s0 =	sadd.s32 s13, s0;
	[sflag:s10] =	ssyncadd.s32 $0xFFFFE700  }
0x22: {  	[tilespmem:s18], [sflag:$0x5] =	stream.linear.gather [hbm4b:s0+s5], $0x1900, $0x38;
	[tilespmem:$0x12C00] =	vst v63  }
0x23: {  	p0 =	por p1, p1;
	_ =	swait.ge [sflag:s10], $0x1900  }
0x24: {  	s1 =	simm.s32 @p0 $0x320;
	[sflag:s10] =	ssyncset.done $0x0  }
0x25: {  	s0 =	simm.s32 @p0 $0x0;
	s5 =	simm.s32 @p0 $0x6400;
	[sflag:s10] =	ssyncadd.s32 $0xFFFFE700  }
0x26: {  	[tilespmem:s5], [sflag:$0x1] =	stream.indirect.gather @p0 [hbm4b:s3+s1], $0x10, s0, s1, $0xb8;
	[tilespmem:$0x12C00] =	vst v63  }
0x27: {  	s8 =	simm.s32 @p0 $0xC800;
	s0 =	simm.s32 @!p0 $0x3;
	s5 =	simm.s32 @p0 $0x3200  }
0x28: {  	[tilespmem:s8], [sflag:$0x1] =	stream.indirect.gather @p0 [hbm4b:s3+s1], $0x10, s5, s1, $0xb8;
	[tilespmem:$0x12C00] =	vst v63  }
0x29: {  	_ =	swait.ge @!p0 [sflag:s0], $0x3200  }
0x2a: {  	[sflag:s0] =	ssyncset.done @!p0 $0x0  }
0x2b: {  	[sflag:s0] =	ssyncadd.s32 @!p0 $0xFFFFCE00  }
0x2c: {  	_ =	swait.ge @!p0 [sflag:s0], $0x3200  }
0x2d: {  	s1 =	simm.s32 @!p0 $0x6400;
	[sflag:s0] =	ssyncset.done @!p0 $0x0  }
0x2e: {  	s5 =	simm.s32 @!p0 $0x320;
	[sflag:s0] =	ssyncadd.s32 @!p0 $0xFFFFCE00;
	s0 =	simm.s32 @!p0 $0x0  }
0x2f: {  	[tilespmem:s1], [sflag:$0x1] =	stream.indirect.gather @!p0 [hbm4b:s3+s5], $0x10, s0, s5, $0xb8;
	[tilespmem:$0x12C00] =	vst v63  }
0x30: {  	s8 =	simm.s32 @!p0 $0x2;
	s0 =	simm.s32 @!p0 $0x3200;
	s1 =	simm.s32 @!p0 $0xC800  }
0x31: {  	[tilespmem:s1], [sflag:$0x1] =	stream.indirect.gather @!p0 [hbm4b:s3+s5], $0x10, s0, s5, $0xb8;
	[tilespmem:$0x12C00] =	vst v63  }
0x32: {  	_ =	swait.ge @!p0 [sflag:s8], $0x3200  }
0x33: {  	[sflag:s8] =	ssyncset.done @!p0 $0x0  }
0x34: {  	[sflag:s8] =	ssyncadd.s32 @!p0 $0xFFFFCE00  }
0x35: {  	_ =	swait.ge @!p0 [sflag:s8], $0x3200  }
0x36: {  	s0 =	sand.u32 @!p1 $0x1FFFFFC0, s9;
	s5 =	simm.s32 @!p0 $0x0;
	[sflag:s8] =	ssyncset.done @!p0 $0x0  }
0x37: {  	s1 =	sadd.s32 @!p1 s6, s0;
	[sflag:s8] =	ssyncadd.s32 @!p0 $0xFFFFCE00;
	s8 =	simm.s32 @!p0 $0x9600  }
0x38: {  	[hbm4b:s1+s5] =	stream.linear.scatter @!p0 [tilespmem:s8], [sflag:$0x4], $0x3200, $0x38;
	[tilespmem:$0x12C00] =	vst v63  }
0x39: {  	s0 =	sadd.s32 @!p1 s7, s0;
	s1 =	simm.s32 @!p0 $0xFA00;
	s8 =	simm.s32 @!p0 $0x4  }
0x3a: {  	[hbm4b:s0+s5] =	stream.linear.scatter @!p0 [tilespmem:s1], [sflag:$0x4], $0x3200, $0x38;
	[tilespmem:$0x12C00] =	vst v63  }
0x3b: {  	_ =	swait.ge @!p0 [sflag:s8], $0x3200  }
0x3c: {  	[sflag:s8] =	ssyncset.done @!p0 $0x0  }
0x3d: {  	[sflag:s8] =	ssyncadd.s32 @!p0 $0xFFFFCE00  }
0x3e: {  	_ =	swait.ge @!p0 [sflag:s8], $0x3200  }
0x3f: {  	[sflag:s8] =	ssyncset.done @!p0 $0x0  }
0x40: {  	s25 =	simm.s32 $0x320;
	s26 =	simm.s32 $0x3520;
	[sflag:s8] =	ssyncadd.s32 @!p0 $0xFFFFCE00  }
0x41: {  	[tilespmem:s20], [sflag:$0x2] =	stream.indirect.gather [hbm4b:s3+s19], $0x10, s25, s19, $0xb8;
	[tilespmem:$0x12C00] =	vst v63  }
0x42: {  	s1 =	sadd.s32 $0xC80, s9;
	s0 =	simm.s32 $0x1900;
	p0 =	seq.s32 s11, $0x1900  }
0x43: {  	[tilespmem:s21], [sflag:$0x2] =	stream.indirect.gather [hbm4b:s3+s19], $0x10, s26, s19, $0xb8;
	[tilespmem:$0x12C00] =	vst v63  }
0x44: {  	s5 =	sand.u32 @!p0 $0x1FFFFFC0, s1;
	s25 =	simm.s32 $0x3200;
	_ =	swait.ge [sflag:s22], $0x3200  }
0x45: {  	s31 =	sadd.s32 @!p0 s6, s5;
	s18 =	sadd.s32 @!p0 s7, s5;
	[sflag:s22] =	ssyncset.done $0x0  }
0x46: {  	p0 =	por p0, p0;
	[dreg:$0x10] =	wrdreg s9;
	[sflag:s22] =	ssyncadd.s32 $0xFFFFCE00  }
0x47: {  	s8 =	simm.s32 @!p0 $0x3;
	s26 =	sadd.s32 $0xC80, s1;
	_ =	swait.ge [sflag:s22], $0x3200  }
0x48: {  	s1 =	sadd.s32 $0xC80, s4;
	[dreg:$0xf] =	wrdreg s4;
	[sflag:s22] =	ssyncset.done $0x0  }
0x49: {  	s9 =	sadd.s32 $0xC80, s14;
	[dreg:$0xe] =	wrdreg s14;
	[sflag:s22] =	ssyncadd.s32 $0xFFFFCE00  }
0x4a: {  	[hbm4b:s4+s2] =	stream.linear.scatter [tilespmem:s23], [sflag:$0x3], $0x3200, $0x38;
	[tilespmem:$0x12C00] =	vst v63  }
.LBB2_3:
0x4b: {  	[hbm4b:s14+s2] =	stream.linear.scatter [tilespmem:s24], [sflag:$0x3], $0x3200, $0x38;
	[tilespmem:$0x12C00] =	vst v63  }
0x4c: {  	s5 =	smov.u32 s25;
	s14 =	smov.u32 s9  }
0x4d: {  	s17 =	sshra.s32 @p0 s0, $0x2;
	s4 =	simm.s32 @p0 $0x320;
	s13 =	simm.s32 @p0 $0x6400  }
0x4e: {  	[tilespmem:s13], [sflag:$0x1] =	stream.indirect.gather @p0 [hbm4b:s3+s4], $0x10, s17, s4, $0xb8;
	[tilespmem:$0x12C00] =	vst v63  }
0x4f: {  	p2 =	seq.s32 s11, s25;
	s13 =	sadd.s32 @p0 $0x3200, s17;
	s17 =	simm.s32 @p0 $0xC800  }
0x50: {  	[tilespmem:s17], [sflag:$0x1] =	stream.indirect.gather @p0 [hbm4b:s3+s4], $0x10, s13, s4, $0xb8;
	[tilespmem:$0x12C00] =	vst v63  }
0x51: {  	s25 =	sadd.s32 $0x1900, s25;
	s4 =	sand.u32 @!p2 $0x1FFFFFC0, s26;
	_ =	swait.ge @!p0 [sflag:s8], $0x3200  }
0x52: {  	s13 =	sadd.s32 @!p2 s6, s4;
	s4 =	sadd.s32 @!p2 s7, s4;
	[sflag:s8] =	ssyncset.done @!p0 $0x0  }
0x53: {  	p1 =	sne.s32 s25, $0x6400;
	[sflag:s8] =	ssyncadd.s32 @!p0 $0xFFFFCE00  }
0x54: {  	_ =	swait.ge @!p0 [sflag:s8], $0x3200  }
0x55: {  	s17 =	simm.s32 @!p0 $0x6400;
	[sflag:s8] =	ssyncset.done @!p0 $0x0  }
0x56: {  	s12 =	simm.s32 @!p0 $0x320;
	[sflag:s8] =	ssyncadd.s32 @!p0 $0xFFFFCE00;
	s8 =	sshra.s32 @!p0 s0, $0x2  }
0x57: {  	[tilespmem:s17], [sflag:$0x1] =	stream.indirect.gather @!p0 [hbm4b:s3+s12], $0x10, s8, s12, $0xb8;
	[tilespmem:$0x12C00] =	vst v63  }
0x58: {  	s10 =	simm.s32 @!p0 $0x2;
	s8 =	sadd.s32 @!p0 $0x3200, s8;
	s17 =	simm.s32 @!p0 $0xC800  }
0x59: {  	[tilespmem:s17], [sflag:$0x1] =	stream.indirect.gather @!p0 [hbm4b:s3+s12], $0x10, s8, s12, $0xb8;
	[tilespmem:$0x12C00] =	vst v63  }
0x5a: {  	_ =	swait.ge @!p0 [sflag:s10], $0x3200  }
0x5b: {  	[sflag:s10] =	ssyncset.done @!p0 $0x0  }
0x5c: {  	[sflag:s10] =	ssyncadd.s32 @!p0 $0xFFFFCE00  }
0x5d: {  	_ =	swait.ge @!p0 [sflag:s10], $0x3200  }
0x5e: {  	[sflag:s10] =	ssyncset.done @!p0 $0x0  }
0x5f: {  	s8 =	simm.s32 @!p0 $0x0;
	[sflag:s10] =	ssyncadd.s32 @!p0 $0xFFFFCE00;
	s10 =	simm.s32 @!p0 $0x9600  }
0x60: {  	[hbm4b:s31+s8] =	stream.linear.scatter @!p0 [tilespmem:s10], [sflag:$0x4], $0x3200, $0x38;
	[tilespmem:$0x12C00] =	vst v63  }
0x61: {  	s12 =	simm.s32 @!p0 $0x4;
	s10 =	simm.s32 @!p0 $0xFA00;
	s31 =	smov.u32 s13  }
0x62: {  	[hbm4b:s18+s8] =	stream.linear.scatter @!p0 [tilespmem:s10], [sflag:$0x4], $0x3200, $0x38;
	[tilespmem:$0x12C00] =	vst v63  }
0x63: {  	s18 =	smov.u32 s4;
	_ =	swait.ge @!p0 [sflag:s12], $0x3200  }
0x64: {  	[sflag:s12] =	ssyncset.done @!p0 $0x0  }
0x65: {  	[sflag:s12] =	ssyncadd.s32 @!p0 $0xFFFFCE00  }
0x66: {  	_ =	swait.ge @!p0 [sflag:s12], $0x3200  }
0x67: {  	s4 =	sshra.s32 s0, $0x2;
	s0 =	smov.u32 s5;
	[sflag:s12] =	ssyncset.done @!p0 $0x0  }
0x68: {  	s5 =	sadd.s32 $0x320, s4;
	[sflag:s12] =	ssyncadd.s32 @!p0 $0xFFFFCE00;
	p0 =	por p2, p2  }
0x69: {  	[tilespmem:s20], [sflag:$0x2] =	stream.indirect.gather [hbm4b:s3+s19], $0x10, s5, s19, $0xb8;
	[tilespmem:$0x12C00] =	vst v63  }
0x6a: {  	s4 =	sadd.s32 $0x3520, s4  }
0x6b: {  	[tilespmem:s21], [sflag:$0x2] =	stream.indirect.gather [hbm4b:s3+s19], $0x10, s4, s19, $0xb8;
	[tilespmem:$0x12C00] =	vst v63  }
0x6c: {  	_ =	swait.ge [sflag:s22], $0x3200  }
0x6d: {  	[sflag:s22] =	ssyncset.done $0x0  }
0x6e: {  	[sflag:s22] =	ssyncadd.s32 $0xFFFFCE00  }
.Ltmp0:
0x6f: {  	_ =	swait.ge [sflag:s22], $0x3200;
	(pc) =	sbr.rel @p1 .LBB2_3-.Ltmp0, $4  }
0x70: {  	[sflag:s22] =	ssyncset.done $0x0  }
0x71: {  	s9 =	sadd.s32 $0xC80, s9;
	[sflag:s22] =	ssyncadd.s32 $0xFFFFCE00  }
0x72: {  	[hbm4b:s1+s2] =	stream.linear.scatter [tilespmem:s23], [sflag:$0x3], $0x3200, $0x38;
	[tilespmem:$0x12C00] =	vst v63  }
0x73: {  	s26 =	sadd.s32 $0xC80, s26;
	s8 =	simm.s32 @!p0 $0x3;
	s1 =	sadd.s32 $0xC80, s1  }
0x74: {  	[hbm4b:s14+s2] =	stream.linear.scatter [tilespmem:s24], [sflag:$0x3], $0x3200, $0x38;
	[tilespmem:$0x12C00] =	vst v63  }
0x75: {  	s4 =	sshra.s32 @p0 s0, $0x2;
	s5 =	simm.s32 @p0 $0x320;
	s10 =	simm.s32 @p0 $0x6400  }
0x76: {  	[tilespmem:s10], [sflag:$0x1] =	stream.indirect.gather @p0 [hbm4b:s3+s5], $0x10, s4, s5, $0xb8;
	[tilespmem:$0x12C00] =	vst v63  }
0x77: {  	s4 =	sadd.s32 @p0 $0x3200, s4;
	s10 =	simm.s32 @p0 $0xC800  }
0x78: {  	[tilespmem:s10], [sflag:$0x1] =	stream.indirect.gather @p0 [hbm4b:s3+s5], $0x10, s4, s5, $0xb8;
	[tilespmem:$0x12C00] =	vst v63  }
0x79: {  	_ =	swait.ge @!p0 [sflag:s8], $0x3200  }
0x7a: {  	[sflag:s8] =	ssyncset.done @!p0 $0x0  }
0x7b: {  	[sflag:s8] =	ssyncadd.s32 @!p0 $0xFFFFCE00  }
0x7c: {  	_ =	swait.ge @!p0 [sflag:s8], $0x3200  }
0x7d: {  	s4 =	simm.s32 @!p0 $0x6400;
	[sflag:s8] =	ssyncset.done @!p0 $0x0  }
0x7e: {  	s5 =	sshra.s32 @!p0 s0, $0x2;
	[sflag:s8] =	ssyncadd.s32 @!p0 $0xFFFFCE00;
	s8 =	simm.s32 @!p0 $0x320  }
0x7f: {  	[tilespmem:s4], [sflag:$0x1] =	stream.indirect.gather @!p0 [hbm4b:s3+s8], $0x10, s5, s8, $0xb8;
	[tilespmem:$0x12C00] =	vst v63  }
0x80: {  	s4 =	sadd.s32 @!p0 $0x3200, s5;
	s5 =	simm.s32 @!p0 $0xC800  }
0x81: {  	[tilespmem:s5], [sflag:$0x1] =	stream.indirect.gather @!p0 [hbm4b:s3+s8], $0x10, s4, s8, $0xb8;
	[tilespmem:$0x12C00] =	vst v63  }
0x82: {  	s4 =	simm.s32 @!p0 $0x2  }
0x83: {  	_ =	swait.ge @!p0 [sflag:s4], $0x3200  }
0x84: {  	[sflag:s4] =	ssyncset.done @!p0 $0x0  }
0x85: {  	[sflag:s4] =	ssyncadd.s32 @!p0 $0xFFFFCE00  }
0x86: {  	_ =	swait.ge @!p0 [sflag:s4], $0x3200  }
0x87: {  	[sflag:s4] =	ssyncset.done @!p0 $0x0  }
0x88: {  	s5 =	simm.s32 @!p0 $0x9600;
	[sflag:s4] =	ssyncadd.s32 @!p0 $0xFFFFCE00;
	s4 =	simm.s32 @!p0 $0x0  }
0x89: {  	[hbm4b:s31+s4] =	stream.linear.scatter @!p0 [tilespmem:s5], [sflag:$0x4], $0x3200, $0x38;
	[tilespmem:$0x12C00] =	vst v63  }
0x8a: {  	s5 =	simm.s32 @!p0 $0xFA00  }
0x8b: {  	[hbm4b:s18+s4] =	stream.linear.scatter @!p0 [tilespmem:s5], [sflag:$0x4], $0x3200, $0x38;
	[tilespmem:$0x12C00] =	vst v63  }
0x8c: {  	s4 =	simm.s32 @!p0 $0x4  }
0x8d: {  	_ =	swait.ge @!p0 [sflag:s4], $0x3200  }
0x8e: {  	[sflag:s4] =	ssyncset.done @!p0 $0x0  }
0x8f: {  	[sflag:s4] =	ssyncadd.s32 @!p0 $0xFFFFCE00  }
0x90: {  	_ =	swait.ge @!p0 [sflag:s4], $0x3200  }
0x91: {  	s12 =	sshra.s32 s0, $0x2;
	[sflag:s4] =	ssyncset.done @!p0 $0x0  }
0x92: {  	s13 =	sadd.s32 $0x320, s12;
	[sflag:s4] =	ssyncadd.s32 @!p0 $0xFFFFCE00  }
0x93: {  	[tilespmem:s20], [sflag:$0x2] =	stream.indirect.gather [hbm4b:s3+s19], $0x10, s13, s19, $0xb8;
	[tilespmem:$0x12C00] =	vst v63  }
0x94: {  	s0 =	sadd.s32 $0x3520, s12  }
0x95: {  	[tilespmem:s21], [sflag:$0x2] =	stream.indirect.gather [hbm4b:s3+s19], $0x10, s0, s19, $0xb8;
	[tilespmem:$0x12C00] =	vst v63  }
0x96: {  	_ =	swait.ge [sflag:s22], $0x3200  }
0x97: {  	[sflag:s22] =	ssyncset.done $0x0  }
0x98: {  	[sflag:s22] =	ssyncadd.s32 $0xFFFFCE00  }
0x99: {  	_ =	swait.ge [sflag:s22], $0x3200  }
0x9a: {  	[sflag:s22] =	ssyncset.done $0x0;
	s17 =	rddreg [dreg:$0x11]  }
0x9b: {  	[sflag:s22] =	ssyncadd.s32 $0xFFFFCE00;
	s14 =	sshllo.u32 s17, $0x1  }
0x9c: {  	[hbm4b:s1+s2] =	stream.linear.scatter [tilespmem:s23], [sflag:$0x3], $0x3200, $0x38;
	[tilespmem:$0x12C00] =	vst v63  }
0x9d: {  	s8 =	rddreg [dreg:$0x4];
	s0 =	smul.u32 $0x1900, s14  }
0x9e: {  	[hbm4b:s9+s2] =	stream.linear.scatter [tilespmem:s24], [sflag:$0x3], $0x3200, $0x38;
	[tilespmem:$0x12C00] =	vst v63  }
0x9f: {  	s0 =	sadd.s32 s8, s0  }
0xa0: {  	s25 =	simm.s32 $0x0;
	s12 =	rddreg [dreg:$0x2];
	s0 =	sshrl.u32 s0, $0x3  }
0xa1: {  	s26 =	simm.s32 $0x1900;
	s10 =	simm.s32 $0x5;
	s18 =	sadd.s32 s12, s0  }
0xa2: {  	[tilespmem:s26], [sflag:$0x5] =	stream.linear.gather [hbm4b:s18+s25], $0x1900, $0x38;
	[tilespmem:$0x12C00] =	vst v63  }
0xa3: {  	_ =	swait.ge [sflag:s10], $0x1900  }
0xa4: {  	[sflag:s10] =	ssyncset.done $0x0;
	s13 =	rddreg [dreg:$0x3]  }
0xa5: {  	s31 =	simm.s32 $0x4B00;
	[sflag:s10] =	ssyncadd.s32 $0xFFFFE700;
	s0 =	sadd.s32 s13, s0  }
0xa6: {  	[tilespmem:s31], [sflag:$0x5] =	stream.linear.gather [hbm4b:s0+s25], $0x1900, $0x38;
	[tilespmem:$0x12C00] =	vst v63  }
0xa7: {  	_ =	swait.ge [sflag:s10], $0x1900  }
0xa8: {  	[sflag:s10] =	ssyncset.done $0x0  }
0xa9: {  	[sflag:s10] =	ssyncadd.s32 $0xFFFFE700  }
0xaa: {  	_ =	swait.ge [sflag:s28], $0x3200  }
0xab: {  	[sflag:s28] =	ssyncset.done $0x0  }
0xac: {  	[sflag:s28] =	ssyncadd.s32 $0xFFFFCE00  }
0xad: {  	_ =	swait.ge [sflag:s28], $0x3200  }
0xae: {  	[sflag:s28] =	ssyncset.done $0x0  }
0xaf: {  	s5 =	simm.s32 $0x1900;
	[sflag:s28] =	ssyncadd.s32 $0xFFFFCE00  }
0xb0: {  	[tilespmem:s23], [sflag:$0x1] =	stream.indirect.gather [hbm4b:s3+s19], $0x10, s5, s19, $0xb8;
	[tilespmem:$0x12C00] =	vst v63  }
0xb1: {  	s9 =	simm.s32 $0x4B00  }
0xb2: {  	[tilespmem:s24], [sflag:$0x1] =	stream.indirect.gather [hbm4b:s3+s19], $0x10, s9, s19, $0xb8;
	[tilespmem:$0x12C00] =	vst v63  }
0xb3: {  	_ =	swait.ge [sflag:s29], $0x3200  }
0xb4: {  	[sflag:s29] =	ssyncset.done $0x0  }
0xb5: {  	[sflag:s29] =	ssyncadd.s32 $0xFFFFCE00  }
0xb6: {  	_ =	swait.ge [sflag:s29], $0x3200  }
0xb7: {  	[sflag:s29] =	ssyncset.done $0x0  }
0xb8: {  	s14 =	sadd.s32 s6, s15;
	[sflag:s29] =	ssyncadd.s32 $0xFFFFCE00  }
0xb9: {  	[hbm4b:s14+s2] =	stream.linear.scatter [tilespmem:s20], [sflag:$0x4], $0x3200, $0x38;
	[tilespmem:$0x12C00] =	vst v63  }
0xba: {  	s18 =	sadd.s32 s7, s15  }
0xbb: {  	[hbm4b:s18+s2] =	stream.linear.scatter [tilespmem:s21], [sflag:$0x4], $0x3200, $0x38;
	[tilespmem:$0x12C00] =	vst v63  }
0xbc: {  	_ =	swait.ge [sflag:s30], $0x3200  }
0xbd: {  	[sflag:s30] =	ssyncset.done $0x0  }
0xbe: {  	[sflag:s30] =	ssyncadd.s32 $0xFFFFCE00  }
0xbf: {  	_ =	swait.ge [sflag:s30], $0x3200  }
0xc0: {  	[sflag:s30] =	ssyncset.done $0x0  }
0xc1: {  	s25 =	simm.s32 $0x1C20;
	[sflag:s30] =	ssyncadd.s32 $0xFFFFCE00  }
0xc2: {  	[tilespmem:s20], [sflag:$0x2] =	stream.indirect.gather [hbm4b:s3+s19], $0x10, s25, s19, $0xb8;
	[tilespmem:$0x12C00] =	vst v63  }
0xc3: {  	s26 =	simm.s32 $0x4E20  }
0xc4: {  	[tilespmem:s21], [sflag:$0x2] =	stream.indirect.gather [hbm4b:s3+s19], $0x10, s26, s19, $0xb8;
	[tilespmem:$0x12C00] =	vst v63  }
0xc5: {  	_ =	swait.ge [sflag:s22], $0x3200  }
0xc6: {  	[sflag:s22] =	ssyncset.done $0x0  }
0xc7: {  	[sflag:s22] =	ssyncadd.s32 $0xFFFFCE00  }
0xc8: {  	s1 =	sadd.s32 $0xC80, s6;
	_ =	swait.ge [sflag:s22], $0x3200  }
0xc9: {  	s31 =	sadd.s32 s6, s16;
	s0 =	simm.s32 $0x1900;
	[sflag:s22] =	ssyncset.done $0x0  }
0xca: {  	s5 =	sadd.s32 s7, s16;
	s9 =	sadd.s32 $0xC80, s7;
	[sflag:s22] =	ssyncadd.s32 $0xFFFFCE00  }
0xcb: {  	[hbm4b:s31+s2] =	stream.linear.scatter [tilespmem:s23], [sflag:$0x3], $0x3200, $0x38;
	[tilespmem:$0x12C00] =	vst v63  }
.LBB2_5:
0xcc: {  	[hbm4b:s5+s2] =	stream.linear.scatter [tilespmem:s24], [sflag:$0x3], $0x3200, $0x38;
	[tilespmem:$0x12C00] =	vst v63  }
0xcd: {  	s4 =	smov.u32 s0  }
0xce: {  	p0 =	sne.s32 s0, $0x4B00;
	s0 =	sadd.s32 $0x1900, s0;
	_ =	swait.ge [sflag:s28], $0x3200  }
0xcf: {  	[sflag:s28] =	ssyncset.done $0x0  }
0xd0: {  	[sflag:s28] =	ssyncadd.s32 $0xFFFFCE00  }
0xd1: {  	_ =	swait.ge [sflag:s28], $0x3200  }
0xd2: {  	s4 =	sshra.s32 s4, $0x2;
	[sflag:s28] =	ssyncset.done $0x0  }
0xd3: {  	s5 =	sadd.s32 $0x1900, s4;
	[sflag:s28] =	ssyncadd.s32 $0xFFFFCE00  }
0xd4: {  	[tilespmem:s23], [sflag:$0x1] =	stream.indirect.gather [hbm4b:s3+s19], $0x10, s5, s19, $0xb8;
	[tilespmem:$0x12C00] =	vst v63  }
0xd5: {  	s5 =	sadd.s32 $0x4B00, s4  }
0xd6: {  	[tilespmem:s24], [sflag:$0x1] =	stream.indirect.gather [hbm4b:s3+s19], $0x10, s5, s19, $0xb8;
	[tilespmem:$0x12C00] =	vst v63  }
0xd7: {  	_ =	swait.ge [sflag:s29], $0x3200  }
0xd8: {  	[sflag:s29] =	ssyncset.done $0x0  }
0xd9: {  	[sflag:s29] =	ssyncadd.s32 $0xFFFFCE00  }
0xda: {  	_ =	swait.ge [sflag:s29], $0x3200  }
0xdb: {  	[sflag:s29] =	ssyncset.done $0x0  }
0xdc: {  	s5 =	sadd.s32 s1, s15;
	[sflag:s29] =	ssyncadd.s32 $0xFFFFCE00  }
0xdd: {  	[hbm4b:s5+s2] =	stream.linear.scatter [tilespmem:s20], [sflag:$0x4], $0x3200, $0x38;
	[tilespmem:$0x12C00] =	vst v63  }
0xde: {  	s5 =	sadd.s32 s9, s15  }
0xdf: {  	[hbm4b:s5+s2] =	stream.linear.scatter [tilespmem:s21], [sflag:$0x4], $0x3200, $0x38;
	[tilespmem:$0x12C00] =	vst v63  }
0xe0: {  	_ =	swait.ge [sflag:s30], $0x3200  }
0xe1: {  	[sflag:s30] =	ssyncset.done $0x0  }
0xe2: {  	[sflag:s30] =	ssyncadd.s32 $0xFFFFCE00  }
0xe3: {  	_ =	swait.ge [sflag:s30], $0x3200  }
0xe4: {  	[sflag:s30] =	ssyncset.done $0x0  }
0xe5: {  	s5 =	sadd.s32 $0x1C20, s4;
	[sflag:s30] =	ssyncadd.s32 $0xFFFFCE00  }
0xe6: {  	[tilespmem:s20], [sflag:$0x2] =	stream.indirect.gather [hbm4b:s3+s19], $0x10, s5, s19, $0xb8;
	[tilespmem:$0x12C00] =	vst v63  }
0xe7: {  	s4 =	sadd.s32 $0x4E20, s4  }
0xe8: {  	[tilespmem:s21], [sflag:$0x2] =	stream.indirect.gather [hbm4b:s3+s19], $0x10, s4, s19, $0xb8;
	[tilespmem:$0x12C00] =	vst v63  }
0xe9: {  	_ =	swait.ge [sflag:s22], $0x3200  }
0xea: {  	[sflag:s22] =	ssyncset.done $0x0  }
0xeb: {  	[sflag:s22] =	ssyncadd.s32 $0xFFFFCE00  }
.Ltmp1:
0xec: {  	_ =	swait.ge [sflag:s22], $0x3200;
	(pc) =	sbr.rel @p0 .LBB2_5-.Ltmp1, $4  }
0xed: {  	[sflag:s22] =	ssyncset.done $0x0  }
0xee: {  	s4 =	sadd.s32 s1, s16;
	[sflag:s22] =	ssyncadd.s32 $0xFFFFCE00  }
0xef: {  	[hbm4b:s4+s2] =	stream.linear.scatter [tilespmem:s23], [sflag:$0x3], $0x3200, $0x38;
	[tilespmem:$0x12C00] =	vst v63  }
0xf0: {  	s5 =	sadd.s32 s9, s16;
	s9 =	sadd.s32 $0xC80, s9;
	s1 =	sadd.s32 $0xC80, s1  }
0xf1: {  	[hbm4b:s5+s2] =	stream.linear.scatter [tilespmem:s24], [sflag:$0x3], $0x3200, $0x38;
	[tilespmem:$0x12C00] =	vst v63  }
0xf2: {  	s17 =	sadd.s32 $0x1, s17  }
0xf3: {  	p0 =	sne.s32 s17, $0x4  }
.Ltmp2:
0xf4: {  	_ = 	snop;
	(pc) =	sbr.rel @p0 .LBB2_2-.Ltmp2, $4  }
0xf5: {  	s9 =	rddreg [dreg:$0x10]  }
0xf6: {  	s11 =	sadd.s32 $0xFFFF3800, s11;
	s4 =	rddreg [dreg:$0xf]  }
0xf7: {  	s14 =	rddreg [dreg:$0xe];
	s15 =	sadd.s32 $0x6400, s15;
	s16 =	sadd.s32 $0x6400, s16  }
0xf8: {  	s9 =	sadd.s32 $0x6400, s9;
	s4 =	sadd.s32 $0x6400, s4;
	s14 =	sadd.s32 $0x6400, s14  }
0xf9: {  	_ =	swait.ge [sflag:s29], $0x3200  }
0xfa: {  	[sflag:s29] =	ssyncset.done $0x0  }
0xfb: {  	[sflag:s29] =	ssyncadd.s32 $0xFFFFCE00  }
0xfc: {  	_ =	swait.ge [sflag:s29], $0x3200  }
0xfd: {  	[sflag:s29] =	ssyncset.done $0x0  }
0xfe: {  	s0 =	rddreg [dreg:$0x5];
	[sflag:s29] =	ssyncadd.s32 $0xFFFFCE00  }
0xff: {  	[hbm4b:s0+s2] =	stream.linear.scatter [tilespmem:s20], [sflag:$0x4], $0x3200, $0x38;
	[tilespmem:$0x12C00] =	vst v63  }
0x100: {  	s26 =	rddreg [dreg:$0x6]  }
0x101: {  	[hbm4b:s26+s2] =	stream.linear.scatter [tilespmem:s21], [sflag:$0x4], $0x3200, $0x38;
	[tilespmem:$0x12C00] =	vst v63  }
0x102: {  	_ =	swait.ge [sflag:s28], $0x3200  }
0x103: {  	[sflag:s28] =	ssyncset.done $0x0  }
0x104: {  	[sflag:s28] =	ssyncadd.s32 $0xFFFFCE00  }
0x105: {  	_ =	swait.ge [sflag:s28], $0x3200  }
0x106: {  	[sflag:s28] =	ssyncset.done $0x0  }
0x107: {  	[sflag:s28] =	ssyncadd.s32 $0xFFFFCE00  }
0x108: {  	_ =	swait.ge [sflag:s30], $0x3200  }
0x109: {  	[sflag:s30] =	ssyncset.done $0x0  }
0x10a: {  	[sflag:s30] =	ssyncadd.s32 $0xFFFFCE00  }
0x10b: {  	_ =	swait.ge [sflag:s30], $0x3200  }
0x10c: {  	s1 =	rddreg [dreg:$0xd]  }
0x10d: {  	s31 =	rddreg [dreg:$0x7];
	s1 =	sadd.s32 $0x1, s1  }
0x10e: {  	p0 =	sne.s32 s1, s31  }
.Ltmp3:
0x10f: {  	_ = 	snop;
	(pc) =	sbr.rel @p0 .LBB2_1-.Ltmp3, $3  }
0x110: {  	_ =	sdelay $0x1  }
0x111: {  	[sflag:s30] =	ssyncset.done $0x0  }
0x112: {  	[sflag:s30] =	ssyncadd.s32 $0xFFFFCE00  }
0x113: {  	_ =	sfence.sel $0x180000  }
0x114: {  	[bflag:$0x0] =	sbarrier.arrive $0xFFFF  }
0x115: {  	_ =	strace $0x90000047  }
0x116: {  	s0 =	stileid.u32;
	[bflag:$0x2] =	sbarrier.arrive $0xFFFF  }
0x117: {  	p0 =	sne.s32 s0, $0x0;
	s0 =	rddreg [dreg:$0x1]  }
0x118: {  	s0 =	sadd.s32 @!p0 $0x100000, s0  }
0x119: {  	[sflag:s0] =	ssyncadd.tile.s32 @!p0 $0x1;
	_ =	shalt  }
.Lfunc_end2:
_tile_overlayer_lowered:
.L_overlay_start_2:
0x11a: {  	(tag) =	ssettag $0x2  }
0x11b: {  	s0 =	rddreg [dreg:$0x0];
	s2 =	stileid.u32  }
0x11c: {  	s1 =	rddreg [dreg:$0x1];
	p0 =	sne.s32 s2, $0x0  }
0x11d: {  	s3 =	rddreg [dreg:$0x2];
	[bflag:$0x3] =	sbarrier.arrive $0xFFFF;
	s2 =	simm.s32 @!p0 $0x1C05  }
0x11e: {  	[timem:s3], [sflag:s2] =	dma.local @!p0 [hbm:s0], s1  }
0x11f: {  	s0 =	simm.s32 @!p0 $0x5  }
0x120: {  	_ =	swait.ge @!p0 [sflag:s0], s1  }
0x121: {  	s1 =	ssub.s32 @!p0 $0x0, s1;
	[sflag:s0] =	ssyncset.done @!p0 $0x0  }
0x122: {  	[sflag:s0] =	ssyncadd.s32 @!p0 s1  }
0x123: {  	[bflag:$0x3] =	sbarrier.arrive $0xFFFF  }
0x124: {  	_ =	shalt  }

// kernel: kernel.8.cloned.1.call-start
scs
__scs_entry_jumppad:
0x0: {  	(pc) =	sbr.rel $0x88, $3  }
0x1: {  	(tag) =	ssettag $0x0;
	lr =	simm.s32 $0x1  }
0x2: {  	[smem:$0x3F98] =	sst lr;
	_ =	strace $0xD0000000  }
0x3: {  	_ = 	snop  }
0x4: {  	_ = 	snop  }
0x5: {  	_ = 	snop  }
0x6: {  	_ = 	snop  }
0x7: {  	_ = 	snop  }
__scs_overlays_trampoline_lowered:
0x8: {  	[smem:$0x3FA7] =	sst s0  }
0x9: {  	[smem:$0x3FA8] =	sst s1  }
0xa: {  	[smem:$0x3FA9] =	sst s2  }
0xb: {  	[smem:$0x3FAA] =	sst s3  }
0xc: {  	[smem:$0x3FAB] =	sst s4  }
0xd: {  	[smem:$0x3FAC] =	sst s5  }
0xe: {  	[smem:$0x3FAD] =	sst s6  }
0xf: {  	[smem:$0x3FAE] =	sst s7  }
0x10: {  	[smem:$0x3FAF] =	sst s8  }
0x11: {  	[smem:$0x3FB0] =	sst s9;
	s0 =	simm.s32 @!p0 $0x0  }
0x12: {  	s1 =	sld [smem:$0x3F96];
	s0 =	simm.s32 @p0 $0x1  }
0x13: {  	[smem:$0x3FB1] =	sst s0;
	s0 =	simm.s32 @!p1 $0x0  }
0x14: {  	s2 =	sld [smem:$0x3F95];
	s0 =	simm.s32 @p1 $0x1  }
0x15: {  	[smem:$0x3FB2] =	sst s0;
	s0 =	simm.s32 @!p2 $0x0  }
0x16: {  	s3 =	sld [smem:$0x3FDB];
	s0 =	simm.s32 @p2 $0x1  }
0x17: {  	s4 =	simm.s32 $0x1BF5;
	[smem:$0x3FB4] =	sst s0  }
0x18: {  	s0 =	sld [smem:$0x3F97];
	_ =	swait.ge [sflag:s4], $0x0  }
0x19: {  	s7 =	sld [smem:$0x3F98]  }
0x1a: {  	s8 =	sadd.s32 $0xFFFFE003, lr  }
0x1b: {  	s9 =	sadd.s32 $0xFFFFFEF7, lr;
	s5 =	simm.s32 $0xFFFFFFFF;
	p2 =	slt.u32 s8, $0xFFFFF086  }
0x1c: {  	p1 =	slt.u32 s9, $0xF7A;
	s5 =	simm.s32 @!p2 $0x0  }
0x1d: {  	s5 =	simm.s32 @p1 $0x1;
	p0 =	seq.s32 s7, s2  }
0x1e: {  	s7 =	smul.u32 @!p0 $0xF7A, s2;
	p2 =	seq.s32 @!p0 s5, $0x0  }
0x1f: {  	s9 =	smul.u32 $0xF7A, s1;
	s8 =	simm.s32 @!p0 $0x1BF5;
	p2 =	por !p2, p0  }
0x20: {  	[sflag:s8] =	ssyncset.s32 @!p0 $0xFFFFF086;
	s6 =	sadd.s32 @!p0 s3, s7;
	s7 =	simm.s32 @!p0 $0x108  }
0x21: {  	s3 =	sadd.s32 s3, s9;
	s6 =	sadd.s32 @!p0 $0x88, s6;
	s7 =	simm.s32 @p2 $0x1082  }
0x22: {  	[simem:s7], [sflag:s8] =	dma.local @!p0 [hbm:s6], $0xF7A  }
0x23: {  	s9 =	sor.u32 $0xD0000000, s2;
	s6 =	simm.s32 $0x108;
	_ =	swait.ge @!p0 [sflag:s8], $0x0  }
0x24: {  	s3 =	sadd.s32 $0x88, s3;
	s6 =	simm.s32 @!p1 $0x1082;
	[sflag:s4] =	ssyncset.s32 $0xFFFFF086  }
0x25: {  	[simem:s6], [sflag:s4] =	dma.local [hbm:s3], $0xF7A  }
0x26: {  	[smem:$0x3F98] =	sst s1;
	(tag) =	ssettag s2;
	_ =	strace s9  }
0x27: {  	s1 =	sld [smem:$0x3FA8]  }
0x28: {  	s2 =	sld [smem:$0x3FA9]  }
0x29: {  	s4 =	sld [smem:$0x3FAB]  }
0x2a: {  	p0 =	seq.s32 s5, $0x0;
	s5 =	sld [smem:$0x3FAC]  }
0x2b: {  	s6 =	sld [smem:$0x3FAD]  }
0x2c: {  	s7 =	sld [smem:$0x3FAE]  }
0x2d: {  	s3 =	simm.s32 $0x108;
	s8 =	sld [smem:$0x3FAF]  }
0x2e: {  	s3 =	simm.s32 @!p0 $0x1082;
	s9 =	sld [smem:$0x3FB0]  }
0x2f: {  	lr =	sadd.s32 s0, s3;
	s0 =	sld [smem:$0x3FA7]  }
0x30: {  	s3 =	sld [smem:$0x3FAA]  }
0x31: {  	[smem:$0x3FB3] =	sst s10  }
0x32: {  	s10 =	sld [smem:$0x3FB1];
	_ =	sdelay $0x3  }
0x33: {  	p0 =	seq.s32 s10, $0x1;
	s10 =	sld [smem:$0x3FB3];
	_ =	sdelay $0x3  }
0x34: {  	[smem:$0x3FB3] =	sst s10  }
0x35: {  	s10 =	sld [smem:$0x3FB2];
	_ =	sdelay $0x3  }
0x36: {  	p1 =	seq.s32 s10, $0x1;
	s10 =	sld [smem:$0x3FB3];
	_ =	sdelay $0x3  }
0x37: {  	[smem:$0x3FB3] =	sst s10  }
0x38: {  	s10 =	sld [smem:$0x3FB4]  }
0x39: {  	_ = 	snop;
	(pc) =	sbr.ind lr, $3  }
0x3a: {  	_ = 	snop  }
0x3b: {  	_ = 	snop  }
0x3c: {  	p2 =	seq.s32 s10, $0x1;
	s10 =	sld [smem:$0x3FB3]  }
0x3d: {  	_ =	shalt  }
0x3e: {  	_ =	shalt  }
0x3f: {  	_ =	shalt  }
0x40: {  	_ =	shalt  }
0x41: {  	_ =	shalt  }
0x42: {  	_ =	shalt  }
0x43: {  	_ =	shalt  }
0x44: {  	_ =	shalt  }
0x45: {  	_ =	shalt  }
0x46: {  	_ =	shalt  }
0x47: {  	_ =	shalt  }
0x48: {  	_ =	shalt  }
0x49: {  	_ =	shalt  }
0x4a: {  	_ =	shalt  }
0x4b: {  	_ =	shalt  }
0x4c: {  	_ =	shalt  }
0x4d: {  	_ =	shalt  }
0x4e: {  	_ =	shalt  }
0x4f: {  	_ =	shalt  }
0x50: {  	_ =	shalt  }
0x51: {  	_ =	shalt  }
0x52: {  	_ =	shalt  }
0x53: {  	_ =	shalt  }
0x54: {  	_ =	shalt  }
0x55: {  	_ =	shalt  }
0x56: {  	_ =	shalt  }
0x57: {  	_ =	shalt  }
0x58: {  	_ =	shalt  }
0x59: {  	_ =	shalt  }
0x5a: {  	_ =	shalt  }
0x5b: {  	_ =	shalt  }
0x5c: {  	_ =	shalt  }
0x5d: {  	_ =	shalt  }
0x5e: {  	_ =	shalt  }
0x5f: {  	_ =	shalt  }
0x60: {  	_ =	shalt  }
0x61: {  	_ =	shalt  }
0x62: {  	_ =	shalt  }
0x63: {  	_ =	shalt  }
0x64: {  	_ =	shalt  }
0x65: {  	_ =	shalt  }
0x66: {  	_ =	shalt  }
0x67: {  	_ =	shalt  }
0x68: {  	_ =	shalt  }
0x69: {  	_ =	shalt  }
0x6a: {  	_ =	shalt  }
0x6b: {  	_ =	shalt  }
0x6c: {  	_ =	shalt  }
0x6d: {  	_ =	shalt  }
0x6e: {  	_ =	shalt  }
0x6f: {  	_ =	shalt  }
0x70: {  	_ =	shalt  }
0x71: {  	_ =	shalt  }
0x72: {  	_ =	shalt  }
0x73: {  	_ =	shalt  }
0x74: {  	_ =	shalt  }
0x75: {  	_ =	shalt  }
0x76: {  	_ =	shalt  }
0x77: {  	_ =	shalt  }
0x78: {  	_ =	shalt  }
0x79: {  	_ =	shalt  }
0x7a: {  	_ =	shalt  }
0x7b: {  	_ =	shalt  }
0x7c: {  	_ =	shalt  }
0x7d: {  	_ =	shalt  }
0x7e: {  	_ =	shalt  }
0x7f: {  	_ =	shalt  }
0x80: {  	_ =	shalt  }
0x81: {  	_ =	shalt  }
0x82: {  	_ =	shalt  }
0x83: {  	_ =	shalt  }
0x84: {  	_ =	shalt  }
0x85: {  	_ =	shalt  }
0x86: {  	_ =	shalt  }
0x87: {  	_ =	shalt  }
.Lfunc_end0:
.L_simem_size_0:
called_computation.1_lowered:
.L_overlay_start_0:
0x88: {  	s2 =	sld [smem:$0x3FD9]  }
0x89: {  	s3 =	sld [smem:$0x3FFE];
	_ =	sdelay $0x1  }
0x8a: {  	s1 =	srdreg.scid  }
0x8b: {  	s0 =	sand.u32 $0x1, s1  }
0x8c: {  	s16 =	sshll.u32 s0, $0xA;
	s2 =	sadd.s32 s3, s2  }
0x8d: {  	s2 =	sadd.s32 s2, s16  }
0x8e: {  	[smem:$0x3FBF] =	sst s2  }
0x8f: {  	_ = 	snop  }
0x90: {  	(tm) =	ssettm $0x1  }
0x91: {  	s17 =	sld [smem:$0x3FFB];
	_ =	sdelay $0x3  }
0x92: {  	_ =	strace s17  }
0x93: {  	s2 =	sld [smem:$0x3FFC];
	_ =	sdelay $0x3  }
0x94: {  	_ =	strace s2  }
0x95: {  	s2 =	sld [smem:$0x3FFD];
	_ =	sdelay $0x3  }
0x96: {  	_ =	strace s2  }
0x97: {  	_ =	strace $0x8FFFFFFF  }
0x98: {  	s18 =	sld [smem:$0x3FDB];
	_ =	sdelay $0x1  }
0x99: {  	s19 =	simm.s32 $_scs_section_size  }
0x9a: {  	s4 =	simm.s32 $_size__tile_overlayer_lowered;
	s5 =	simm.s32 $_tile_overlayer_lowered  }
0x9b: {  	s22 =	simm.s32 $0x1BFF;
	s21 =	sshll.u32 s5, $0x1;
	s2 =	sadd.s32 s19, s18  }
0x9c: {  	s6 =	simm.s32 $0x0;
	s20 =	sshll.u32 s4, $0x1;
	s4 =	sadd.s32 s21, s2  }
0x9d: {  	[timem:s6], [sflag:s22] =	dma.local [hbm:s4], s20  }
0x9e: {  	_ =	swait.ge [sflag:s22], s20  }
0x9f: {  	s3 =	ssub.s32 $0x0, s20;
	[sflag:s22] =	ssyncset.done $0x0  }
0xa0: {  	[sflag:s22] =	ssyncadd.s32 s3;
	_ =	sdelay $0x1  }
0xa1: {  	s23 =	simm.s32 $0x1B8B  }
0xa2: {  	_ =	swait.ge [sflag:s23], $0x1  }
0xa3: {  	[sflag:s23] =	ssyncset.done $0x0  }
0xa4: {  	s25 =	simm.s32 $0x1B8E;
	s24 =	sld [smem:$0x3FFE];
	[sflag:s23] =	ssyncadd.s32 $0xFFFFFFFF  }
0xa5: {  	s26 =	simm.s32 $execute0_lowered;
	[smem:$0x3FD2] =	sst s25  }
0xa6: {  	s4 =	sshll.u32 s26, $0x1;
	_ =	strace $0x80000049;
	[dreg:$0x1] =	wrdreg $0xFFFFFFFF  }
0xa7: {  	s28 =	simm.s32 $_size_execute0_lowered;
	s2 =	sadd.s32 s2, s4;
	[dreg:$0x0] =	wrdreg $0x0  }
0xa8: {  	s4 =	sshll.u32 s28, $0x1;
	[dreg:$0x2] =	wrdreg s2  }
0xa9: {  	[dreg:$0x3] =	wrdreg s4  }
0xaa: {  	[dreg:$0x4] =	wrdreg $0xC0  }
0xab: {  	_ =	task [dreg:s6], $0x5FFFF  }
0xac: {  	[dreg:$0x1] =	wrdreg $0xFFFFFFFF  }
0xad: {  	[dreg:$0x0] =	wrdreg $0x60  }
0xae: {  	[dreg:$0x2] =	wrdreg s24  }
0xaf: {  	[dreg:$0x3] =	wrdreg $0x6D800  }
0xb0: {  	[dreg:$0x4] =	wrdreg $0x73C00  }
0xb1: {  	[dreg:$0x5] =	wrdreg $0x7A000  }
0xb2: {  	[dreg:$0x6] =	wrdreg $0x80400  }
0xb3: {  	[dreg:$0x7] =	wrdreg $0x9  }
0xb4: {  	_ =	task.clear_ibuf [dreg:s6], $0x8FFFF;
	_ =	strace $0x90000049  }
0xb5: {  	s29 =	simm.s32 $0x9;
	_ =	strace $0x8000004B  }
0xb6: {  	_ =	swait.ge [sflag:s29], $0x1  }
0xb7: {  	[sflag:s29] =	ssyncadd.s32 $0xFFFFFFFF  }
0xb8: {  	_ =	strace $0x9000004B  }
0xb9: {  	_ =	sfence  }
0xba: {  	s30 =	sld [smem:$0x0];
	_ =	sdelay $0x2  }
0xbb: {  	s31 =	sshll.u32 s1, $0xD;
	s1 =	sshrl.u32 s1, $0x2  }
0xbc: {  	s3 =	sand.u32 $0x4000, s31;
	s1 =	sadd.s32 s1, s30  }
0xbd: {  	s0 =	sor.u32 s3, s0;
	s1 =	sshll.u32 s1, $0x11  }
0xbe: {  	s0 =	sor.u32 s1, s0  }
0xbf: {  	s0 =	sadd.s32 $0x8F2B, s0  }
0xc0: {  	[sflag:s0] =	ssyncadd.remote.s32 $0x1  }
0xc1: {  	_ =	sfence.sel $0xFFFF  }
0xc2: {  	[dreg:$0x0] =	wrdreg $0xFFFFFFFF;
	(pc) =	sbr.abs _section_cstart, $3  }
0xc3: {  	[dreg:$0x1] =	wrdreg $0xFFFFFFFF  }
0xc4: {  	_ =	task.clear_ibuf [dreg:s6], $0x2FFFF;
	_ =	strace $0x9FFFFFFF  }
0xc5: {  	(tm) =	ssettm $0x7FFFFFFF  }
tec
execute0_lowered:
.L_overlay_start_1:
0x0: {  	(tag) =	ssettag $0x1  }
0x1: {  	s0 =	rddreg [dreg:$0x0]  }
0x2: {  	s1 =	rddreg [dreg:$0x1]  }
0x3: {  	s2 =	rddreg [dreg:$0x2]  }
0x4: {  	s3 =	rddreg [dreg:$0x3]  }
0x5: {  	s4 =	rddreg [dreg:$0x4]  }
0x6: {  	s6 =	simm.s32 $0x0;
	s5 =	srdreg.scid;
	s17 =	stileid.u32  }
0x7: {  	s28 =	simm.s32 $0x3000;
	s29 =	simm.s32 $0x1;
	s30 =	simm.s32 $0x800  }
0x8: {  	s31 =	simm.s32 $0x4000;
	[smem:$0x7FF] =	sst s6;
	s5 =	sand.u32 $0x1, s5  }
0x9: {  	s12 =	smul.u32 $0x640, s17;
	s7 =	sadd.s32 $0xCAA00, s0;
	s8 =	sadd.s32 $0x33800, s0  }
0xa: {  	s9 =	sadd.s32 $0x98A00, s0;
	s10 =	sadd.s32 $0x66A00, s0;
	s15 =	smul.u32 $0x19000, s17  }
0xb: {  	p0 =	seq.s32 s17, $0xF;
	s17 =	simm.s32 $0x3;
	s11 =	smul.u32 $0x61A8, s5  }
0xc: {  	_ =	strace $0x8000004A;
	s5 =	ssub.s32 $0x2, s5;
	s19 =	sadd.s32 s12, s1  }
0xd: {  	s14 =	sshrl.u32 s5, $0x1;
	s20 =	sadd.s32 s12, s2;
	[dreg:$0x6] =	wrdreg s19  }
0xe: {  	s21 =	sadd.s32 s12, s3;
	s16 =	sshrl.u32 s15, $0x3;
	[dreg:$0x7] =	wrdreg s20  }
0xf: {  	s13 =	sadd.s32 s12, s11;
	s5 =	ssub.s32 s5, s14;
	[dreg:$0x8] =	wrdreg s21  }
0x10: {  	s14 =	sadd.s32 s12, s4;
	s22 =	sadd.s32 s9, s16;
	s23 =	sadd.s32 s7, s16  }
0x11: {  	s24 =	sadd.s32 s10, s16;
	s25 =	sadd.s32 s8, s16;
	[dreg:$0x9] =	wrdreg s22  }
0x12: {  	s19 =	sor.u32 $0x800, s15;
	s20 =	sadd.s32 $0x1000, s15;
	[dreg:$0xa] =	wrdreg s23  }
0x13: {  	s15 =	simm.s32 $0x3800;
	s16 =	simm.s32 $0x2;
	[dreg:$0xb] =	wrdreg s24  }
0x14: {  	s13 =	sshrl.u32 s13, $0x3;
	[dreg:$0xc] =	wrdreg s25;
	s26 =	smax.u32 s5, $0x1  }
0x15: {  	s23 =	simm.s32 $0x4800;
	s24 =	simm.s32 $0x4;
	s25 =	simm.s32 $0x1000  }
0x16: {  	s5 =	simm.s32 $0x2800;
	s0 =	sadd.s32 s13, s0;
	[dreg:$0xd] =	wrdreg s26  }
0x17: {  	v1 =	vimm.f32 $1.000000000e+00;
	v2 =	vimm.f32 $0.0e+00;
	v0 =	vmov s11;
	s26 =	simm.s32 $0x2000;
	s21 =	sadd.s32 $0x2A00, s0;
	s0 =	simm.s32 $0x1800  }
.LBB2_1:
0x18: {  	s11 =	simm.s32 $0x0  }
.LBB2_2:
0x19: {  	p1 =	sne.s32 s11, $0x1FC0  }
.Ltmp0:
0x1a: {  	_ = 	snop;
	(pc) =	sbr.rel @p1 .LBB2_2-.Ltmp0, $3  }
0x1b: {  	_ =	sdelay $0x1  }
0x1c: {  	s12 =	sshra.s32 s11, $0x2  }
0x1d: {  	s11 =	sadd.s32 $0x40, s11;
	[tilespmem:s12+$0x4000] =	vst v1  }
0x1e: {  	s11 =	simm.s32 $0x40;
	s12 =	simm.s32 $0x0  }
.LBB2_4:
0x1f: {  	p1 =	sne.s32 s11, $0x18C0;
	[tilespmem:s12+$0x4800] =	vst v2;
	s12 =	smov.u32 s11;
	s11 =	sadd.s32 $0x40, s11  }
.Ltmp1:
0x20: {  	(pc) =	sbr.rel @p1 .LBB2_4-.Ltmp1, $2  }
0x21: {  	_ =	sdelay $0x2  }
0x22: {  	s12 =	sshra.s32 s12, $0x2  }
0x23: {  	[tilespmem:s12+$0x4800] =	vst v2;
	s11 =	rddreg [dreg:$0x6]  }
0x24: {  	[spmem:s11] =	stream.linear.scatter [tilespmem:s23], [sflag:$0x4], $0x640, $0x38;
	[tilespmem:$0x8680] =	vst v63  }
0x25: {  	_ =	swait.ge [sflag:s24], $0x640  }
0x26: {  	[sflag:s24] =	ssyncset.done $0x0  }
0x27: {  	s13 =	rddreg [dreg:$0x7];
	[sflag:s24] =	ssyncadd.s32 $0xFFFFF9C0  }
0x28: {  	[spmem:s13] =	stream.linear.scatter [tilespmem:s23], [sflag:$0x4], $0x640, $0x38;
	[tilespmem:$0x8680] =	vst v63  }
0x29: {  	_ =	swait.ge [sflag:s24], $0x640  }
0x2a: {  	[sflag:s24] =	ssyncset.done $0x0  }
0x2b: {  	s18 =	rddreg [dreg:$0x8];
	[sflag:s24] =	ssyncadd.s32 $0xFFFFF9C0  }
0x2c: {  	[spmem:s18] =	stream.linear.scatter [tilespmem:s23], [sflag:$0x4], $0x640, $0x38;
	[tilespmem:$0x8680] =	vst v63  }
0x2d: {  	_ =	swait.ge [sflag:s24], $0x640  }
0x2e: {  	[sflag:s24] =	ssyncset.done $0x0  }
0x2f: {  	[sflag:s24] =	ssyncadd.s32 $0xFFFFF9C0  }
0x30: {  	[spmem:s14] =	stream.linear.scatter [tilespmem:s23], [sflag:$0x4], $0x640, $0x38;
	[tilespmem:$0x8680] =	vst v63  }
0x31: {  	_ =	swait.ge [sflag:s24], $0x640  }
0x32: {  	[sflag:s24] =	ssyncset.done $0x0  }
0x33: {  	[sflag:s24] =	ssyncadd.s32 $0xFFFFF9C0  }
0x34: {  	[bflag:$0x0] =	sbarrier.arrive $0xFFFF  }
0x35: {  	s18 =	simm.s32 $0x0;
	s22 =	rddreg [dreg:$0x9]  }
0x36: {  	[tilespmem:s18], [sflag:$0x1] =	stream.linear.gather [hbm4b:s22+s18], $0x800, $0x38;
	[tilespmem:$0x8680] =	vst v63  }
0x37: {  	s12 =	rddreg [dreg:$0xa]  }
0x38: {  	[tilespmem:s25], [sflag:$0x1] =	stream.linear.gather [hbm4b:s12+s18], $0x800, $0x38;
	[tilespmem:$0x8680] =	vst v63  }
0x39: {  	s13 =	rddreg [dreg:$0xb]  }
0x3a: {  	[tilespmem:s26], [sflag:$0x1] =	stream.linear.gather [hbm4b:s13+s18], $0x800, $0x38;
	[tilespmem:$0x8680] =	vst v63  }
0x3b: {  	s22 =	rddreg [dreg:$0xc]  }
0x3c: {  	[tilespmem:s28], [sflag:$0x1] =	stream.linear.gather [hbm4b:s22+s18], $0x800, $0x38;
	[tilespmem:$0x8680] =	vst v63  }
.LBB2_6:
0x3d: {  	_ =	swait.ge [sflag:s29], $0x800  }
0x3e: {  	[sflag:s29] =	ssyncset.done $0x0  }
0x3f: {  	[sflag:s29] =	ssyncadd.s32 $0xFFFFF800  }
0x40: {  	_ =	swait.ge [sflag:s29], $0x800  }
0x41: {  	[sflag:s29] =	ssyncset.done $0x0  }
0x42: {  	[sflag:s29] =	ssyncadd.s32 $0xFFFFF800  }
0x43: {  	_ =	swait.ge [sflag:s29], $0x800  }
0x44: {  	[sflag:s29] =	ssyncset.done $0x0  }
0x45: {  	[sflag:s29] =	ssyncadd.s32 $0xFFFFF800  }
0x46: {  	_ =	swait.ge [sflag:s29], $0x800  }
0x47: {  	[sflag:s29] =	ssyncset.done $0x0  }
0x48: {  	s11 =	simm.s32 $0x0;
	[sflag:s29] =	ssyncadd.s32 $0xFFFFF800  }
0x49: {  	s12 =	simm.s32 $0x40;
	v3 =	vld [tilespmem:s11+$0x0]  }
.LBB2_7:
0x4a: {  	p1 =	sne.s32 s12, $0x1FC0;
	v4 =	vld [tilespmem:s11+$0x2000];
	_ =	sdelay $0x2  }
.Ltmp2:
0x4b: {  	(pc) =	sbr.rel @p1 .LBB2_7-.Ltmp2, $4  }
0x4c: {  	v3 =	vsub.s32 v3, v0  }
0x4d: {  	v3 =	vmin.u32 v3, $0x61A8;
	v4 =	vsub.s32 v4, v0  }
0x4e: {  	s22 =	sshra.s32 s12, $0x2;
	[tilespmem:s11+$0x0] =	vst v3;
	v4 =	vmin.u32 v4, $0x61A8  }
0x4f: {  	s12 =	sadd.s32 $0x40, s12;
	v3 =	vld [tilespmem:s22+$0x0];
	[tilespmem:s11+$0x2000] =	vst v4;
	s11 =	smov.u32 s22  }
0x50: {  	v4 =	vld [tilespmem:s11+$0x2000];
	_ =	sdelay $0x3  }
0x51: {  	v3 =	vsub.s32 v3, v0  }
0x52: {  	v3 =	vmin.u32 v3, $0x61A8;
	v4 =	vsub.s32 v4, v0  }
0x53: {  	p1 =	seq.s32 s18, $0x0;
	[tilespmem:s11+$0x0] =	vst v3;
	v3 =	vmin.u32 v4, $0x61A8  }
0x54: {  	[tilespmem:s11+$0x2000] =	vst v3;
	s11 =	simm.s32 @!p1 $0x3  }
0x55: {  	_ =	swait.ge @!p1 [sflag:s11], $0x800  }
0x56: {  	[sflag:s11] =	ssyncset.done @!p1 $0x0  }
0x57: {  	[sflag:s11] =	ssyncadd.s32 @!p1 $0xFFFFF800  }
0x58: {  	_ =	swait.ge @!p1 [sflag:s11], $0x800  }
0x59: {  	[sflag:s11] =	ssyncset.done @!p1 $0x0  }
0x5a: {  	[sflag:s11] =	ssyncadd.s32 @!p1 $0xFFFFF800  }
0x5b: {  	_ =	swait.ge @!p1 [sflag:s11], $0x800  }
0x5c: {  	[sflag:s11] =	ssyncset.done @!p1 $0x0  }
0x5d: {  	[sflag:s11] =	ssyncadd.s32 @!p1 $0xFFFFF800  }
0x5e: {  	_ =	swait.ge @!p1 [sflag:s11], $0x800  }
0x5f: {  	[sflag:s11] =	ssyncset.done @!p1 $0x0  }
0x60: {  	[sflag:s11] =	ssyncadd.s32 @!p1 $0xFFFFF800;
	s11 =	simm.s32 $0x0  }
0x61: {  	[spmem:s1] =	stream.indirect.scatter.add.f32 [tilespmem:s25], [sflag:$0x3], $0x1, s11, s30, $0xb8;
	[tilespmem:$0x8680] =	vst v63  }
0x62: {  	s22 =	sshll.u32 s18, $0xC  }
0x63: {  	[spmem:s2] =	stream.indirect.scatter.add.f32 [tilespmem:s31], [sflag:$0x3], $0x1, s11, s30, $0xb8;
	[tilespmem:$0x8680] =	vst v63  }
0x64: {  	s12 =	sadd.s32 s22, s19  }
0x65: {  	[spmem:s3] =	stream.indirect.scatter.add.f32 [tilespmem:s28], [sflag:$0x3], $0x1, s26, s30, $0xb8;
	[tilespmem:$0x8680] =	vst v63  }
0x66: {  	s12 =	sshrl.u32 s12, $0x3  }
0x67: {  	[spmem:s4] =	stream.indirect.scatter.add.f32 [tilespmem:s31], [sflag:$0x3], $0x1, s26, s30, $0xb8;
	[tilespmem:$0x8680] =	vst v63  }
0x68: {  	s13 =	sadd.s32 s9, s12  }
0x69: {  	[tilespmem:s30], [sflag:$0x2] =	stream.linear.gather [hbm4b:s13+s11], $0x800, $0x38;
	[tilespmem:$0x8680] =	vst v63  }
0x6a: {  	s13 =	sadd.s32 s7, s12  }
0x6b: {  	[tilespmem:s0], [sflag:$0x2] =	stream.linear.gather [hbm4b:s13+s11], $0x800, $0x38;
	[tilespmem:$0x8680] =	vst v63  }
0x6c: {  	s13 =	sadd.s32 s10, s12  }
0x6d: {  	[tilespmem:s5], [sflag:$0x2] =	stream.linear.gather [hbm4b:s13+s11], $0x800, $0x38;
	[tilespmem:$0x8680] =	vst v63  }
0x6e: {  	s12 =	sadd.s32 s8, s12  }
0x6f: {  	[tilespmem:s15], [sflag:$0x2] =	stream.linear.gather [hbm4b:s12+s11], $0x800, $0x38;
	[tilespmem:$0x8680] =	vst v63  }
0x70: {  	_ =	swait.ge [sflag:s16], $0x800  }
0x71: {  	[sflag:s16] =	ssyncset.done $0x0  }
0x72: {  	[sflag:s16] =	ssyncadd.s32 $0xFFFFF800  }
0x73: {  	_ =	swait.ge [sflag:s16], $0x800  }
0x74: {  	[sflag:s16] =	ssyncset.done $0x0  }
0x75: {  	[sflag:s16] =	ssyncadd.s32 $0xFFFFF800  }
0x76: {  	_ =	swait.ge [sflag:s16], $0x800  }
0x77: {  	[sflag:s16] =	ssyncset.done $0x0  }
0x78: {  	[sflag:s16] =	ssyncadd.s32 $0xFFFFF800  }
0x79: {  	_ =	swait.ge [sflag:s16], $0x800  }
0x7a: {  	[sflag:s16] =	ssyncset.done $0x0  }
0x7b: {  	s11 =	simm.s32 $0x0;
	[sflag:s16] =	ssyncadd.s32 $0xFFFFF800  }
0x7c: {  	s12 =	simm.s32 $0x40;
	v3 =	vld [tilespmem:s11+$0x800]  }
.LBB2_9:
0x7d: {  	p1 =	sne.s32 s12, $0x1FC0;
	v4 =	vld [tilespmem:s11+$0x2800];
	_ =	sdelay $0x2  }
.Ltmp3:
0x7e: {  	(pc) =	sbr.rel @p1 .LBB2_9-.Ltmp3, $4  }
0x7f: {  	v3 =	vsub.s32 v3, v0  }
0x80: {  	v3 =	vmin.u32 v3, $0x61A8;
	v4 =	vsub.s32 v4, v0  }
0x81: {  	s13 =	sshra.s32 s12, $0x2;
	[tilespmem:s11+$0x800] =	vst v3;
	v4 =	vmin.u32 v4, $0x61A8  }
0x82: {  	s12 =	sadd.s32 $0x40, s12;
	v3 =	vld [tilespmem:s13+$0x800];
	[tilespmem:s11+$0x2800] =	vst v4;
	s11 =	smov.u32 s13  }
0x83: {  	v4 =	vld [tilespmem:s11+$0x2800];
	_ =	sdelay $0x3  }
0x84: {  	v3 =	vsub.s32 v3, v0  }
0x85: {  	v3 =	vmin.u32 v3, $0x61A8;
	v4 =	vsub.s32 v4, v0  }
0x86: {  	[tilespmem:s11+$0x800] =	vst v3;
	v3 =	vmin.u32 v4, $0x61A8  }
0x87: {  	[tilespmem:s11+$0x2800] =	vst v3  }
0x88: {  	_ =	swait.ge [sflag:s17], $0x800  }
0x89: {  	[sflag:s17] =	ssyncset.done $0x0  }
0x8a: {  	[sflag:s17] =	ssyncadd.s32 $0xFFFFF800  }
0x8b: {  	_ =	swait.ge [sflag:s17], $0x800  }
0x8c: {  	[sflag:s17] =	ssyncset.done $0x0  }
0x8d: {  	[sflag:s17] =	ssyncadd.s32 $0xFFFFF800  }
0x8e: {  	_ =	swait.ge [sflag:s17], $0x800  }
0x8f: {  	[sflag:s17] =	ssyncset.done $0x0  }
0x90: {  	[sflag:s17] =	ssyncadd.s32 $0xFFFFF800  }
0x91: {  	_ =	swait.ge [sflag:s17], $0x800  }
0x92: {  	[sflag:s17] =	ssyncset.done $0x0  }
0x93: {  	[sflag:s17] =	ssyncadd.s32 $0xFFFFF800  }
0x94: {  	[spmem:s1] =	stream.indirect.scatter.add.f32 [tilespmem:s0], [sflag:$0x3], $0x1, s30, s30, $0xb8;
	[tilespmem:$0x8680] =	vst v63  }
0x95: {  	p1 =	sgt.u32 s18, $0x17  }
0x96: {  	[spmem:s2] =	stream.indirect.scatter.add.f32 [tilespmem:s31], [sflag:$0x3], $0x1, s30, s30, $0xb8;
	[tilespmem:$0x8680] =	vst v63  }
0x97: {  	s11 =	sadd.s32 @!p1 s22, s20  }
0x98: {  	[spmem:s3] =	stream.indirect.scatter.add.f32 [tilespmem:s15], [sflag:$0x3], $0x1, s5, s30, $0xb8;
	[tilespmem:$0x8680] =	vst v63  }
0x99: {  	s11 =	sshrl.u32 @!p1 s11, $0x3  }
0x9a: {  	[spmem:s4] =	stream.indirect.scatter.add.f32 [tilespmem:s31], [sflag:$0x3], $0x1, s5, s30, $0xb8;
	[tilespmem:$0x8680] =	vst v63  }
0x9b: {  	s13 =	simm.s32 @!p1 $0x0;
	s12 =	sadd.s32 @!p1 s9, s11  }
0x9c: {  	[tilespmem:s13], [sflag:$0x1] =	stream.linear.gather @!p1 [hbm4b:s12+s13], $0x800, $0x38;
	[tilespmem:$0x8680] =	vst v63  }
0x9d: {  	s22 =	simm.s32 @!p1 $0x1000;
	s12 =	sadd.s32 @!p1 s7, s11  }
0x9e: {  	[tilespmem:s22], [sflag:$0x1] =	stream.linear.gather @!p1 [hbm4b:s12+s13], $0x800, $0x38;
	[tilespmem:$0x8680] =	vst v63  }
0x9f: {  	s12 =	sadd.s32 @!p1 s10, s11;
	s22 =	simm.s32 @!p1 $0x2000  }
0xa0: {  	[tilespmem:s22], [sflag:$0x1] =	stream.linear.gather @!p1 [hbm4b:s12+s13], $0x800, $0x38;
	[tilespmem:$0x8680] =	vst v63  }
0xa1: {  	s18 =	sadd.s32 $0x1, s18;
	s11 =	sadd.s32 @!p1 s8, s11;
	s12 =	simm.s32 @!p1 $0x3000  }
0xa2: {  	[tilespmem:s12], [sflag:$0x1] =	stream.linear.gather @!p1 [hbm4b:s11+s13], $0x800, $0x38;
	[tilespmem:$0x8680] =	vst v63  }
0xa3: {  	p1 =	sne.s32 s18, $0x19  }
.Ltmp4:
0xa4: {  	_ = 	snop;
	(pc) =	sbr.rel @p1 .LBB2_6-.Ltmp4, $1  }
0xa5: {  	_ =	sdelay $0x3  }
0xa6: {  	_ =	swait.ge [sflag:s17], $0x800  }
0xa7: {  	[sflag:s17] =	ssyncset.done $0x0  }
0xa8: {  	[sflag:s17] =	ssyncadd.s32 $0xFFFFF800  }
0xa9: {  	_ =	swait.ge [sflag:s17], $0x800  }
0xaa: {  	[sflag:s17] =	ssyncset.done $0x0  }
0xab: {  	[sflag:s17] =	ssyncadd.s32 $0xFFFFF800  }
0xac: {  	_ =	swait.ge [sflag:s17], $0x800  }
0xad: {  	[sflag:s17] =	ssyncset.done $0x0  }
0xae: {  	[sflag:s17] =	ssyncadd.s32 $0xFFFFF800  }
0xaf: {  	_ =	swait.ge [sflag:s17], $0x800  }
0xb0: {  	[sflag:s17] =	ssyncset.done $0x0  }
0xb1: {  	[sflag:s17] =	ssyncadd.s32 $0xFFFFF800  }
0xb2: {  	[bflag:$0x0] =	sbarrier.arrive $0xFFFF  }
0xb3: {  	s12 =	simm.s32 $0x4E40;
	s11 =	rddreg [dreg:$0x6]  }
0xb4: {  	[tilespmem:s12], [sflag:$0x4] =	stream.linear.gather [spmem:s11], $0x640, $0x38;
	[tilespmem:$0x8680] =	vst v63  }
0xb5: {  	_ =	swait.ge [sflag:s24], $0x640  }
0xb6: {  	[sflag:s24] =	ssyncset.done $0x0  }
0xb7: {  	s22 =	simm.s32 $0x5480;
	s18 =	rddreg [dreg:$0x7];
	[sflag:s24] =	ssyncadd.s32 $0xFFFFF9C0  }
0xb8: {  	[tilespmem:s22], [sflag:$0x4] =	stream.linear.gather [spmem:s18], $0x640, $0x38;
	[tilespmem:$0x8680] =	vst v63  }
0xb9: {  	_ =	swait.ge [sflag:s24], $0x640  }
0xba: {  	[sflag:s24] =	ssyncset.done $0x0  }
0xbb: {  	s18 =	simm.s32 $0x5AC0;
	s13 =	rddreg [dreg:$0x8];
	[sflag:s24] =	ssyncadd.s32 $0xFFFFF9C0  }
0xbc: {  	[tilespmem:s18], [sflag:$0x4] =	stream.linear.gather [spmem:s13], $0x640, $0x38;
	[tilespmem:$0x8680] =	vst v63  }
0xbd: {  	_ =	swait.ge [sflag:s24], $0x640  }
0xbe: {  	[sflag:s24] =	ssyncset.done $0x0  }
0xbf: {  	s22 =	simm.s32 $0x6100;
	[sflag:s24] =	ssyncadd.s32 $0xFFFFF9C0  }
0xc0: {  	[tilespmem:s22], [sflag:$0x4] =	stream.linear.gather [spmem:s14], $0x640, $0x38;
	[tilespmem:$0x8680] =	vst v63  }
0xc1: {  	_ =	swait.ge [sflag:s24], $0x640  }
0xc2: {  	[sflag:s24] =	ssyncset.done $0x0  }
0xc3: {  	s11 =	simm.s32 $0x0;
	[sflag:s24] =	ssyncadd.s32 $0xFFFFF9C0  }
0xc4: {  	v3 =	vld [tilespmem:s11+$0x5480];
	_ =	sdelay $0x1  }
0xc5: {  	v4 =	vld [tilespmem:s11+$0x6100];
	_ =	sdelay $0x2  }
0xc6: {  	v3 =	vmax.f32 v3, $1.000000000e+00  }
0xc7: {  	(erf) = vrcp.f32 v3  }
0xc8: {  	s18 =	simm.s32 $0x10;
	v4 =	vmax.f32 v4, $1.000000000e+00  }
0xc9: {  	(erf) = vrcp.f32 v4;
	v4 =	vld [tilespmem:s18+$0x5480]  }
0xca: {  	v5 =	vld [tilespmem:s18+$0x6100];
	_ =	sdelay $0x2  }
0xcb: {  	s22 =	simm.s32 $0x20;
	v7 =	vld [tilespmem:s11+$0x4E40]  }
0xcc: {  	v6 =	vld [tilespmem:s22+$0x5480];
	v4 =	vmax.f32 v4, $1.000000000e+00  }
0xcd: {  	v9 =	vmax.f32 v5, $1.000000000e+00;
	v3 =	vld [tilespmem:s11+$0x5AC0];
	(erf) = vrcp.f32 v4  }
0xce: {  	v5 =	vld [tilespmem:s22+$0x6100];
	v8 =	vpop (erf);
	(erf) = vrcp.f32 v9;
	_ =	sdelay $0x2  }
0xcf: {  	s12 =	simm.s32 $0xC0;
	v4 =	vld [tilespmem:s18+$0x4E40];
	v9 =	vpop (erf)  }
.LBB2_12:
0xd0: {  	s13 =	sshra.s32 s12, $0x2;
	v10 =	vmax.f32 v6, $1.000000000e+00;
	v7 =	vmul.f32 v8, v7;
	v8 =	vmul.f32 v9, v3;
	v3 =	vld [tilespmem:s18+$0x5AC0];
	p1 =	sne.s32 s12, $0x18C0  }
.Ltmp5:
0xd1: {  	s12 =	sadd.s32 $0x40, s12;
	v6 =	vld [tilespmem:s13+$0x5480];
	v9 =	vmax.f32 v5, $1.000000000e+00;
	(erf) = vrcp.f32 v10;
	(pc) =	sbr.rel @p1 .LBB2_12-.Ltmp5, $3  }
0xd2: {  	v5 =	vld [tilespmem:s13+$0x6100];
	(erf) = vrcp.f32 v9;
	v10 =	vadd.f32 v8, v7;
	_ =	sdelay $0x1  }
0xd3: {  	v8 =	vpop (erf);
	[tilespmem:s11+$0x6740] =	vst v10;
	v7 =	vmov v4;
	s11 =	smov.u32 s18;
	s18 =	smov.u32 s22;
	s22 =	smov.u32 s13  }
0xd4: {  	v4 =	vld [tilespmem:s18+$0x4E40];
	v9 =	vpop (erf)  }
0xd5: {  	v6 =	vmax.f32 v6, $1.000000000e+00;
	v7 =	vmul.f32 v8, v7  }
0xd6: {  	v3 =	vmul.f32 v9, v3;
	v5 =	vmax.f32 v5, $1.000000000e+00;
	(erf) = vrcp.f32 v6  }
0xd7: {  	(erf) = vrcp.f32 v5  }
0xd8: {  	v3 =	vadd.f32 v3, v7;
	_ =	sdelay $0x1  }
0xd9: {  	v58 =	vld [tilespmem:s18+$0x5AC0];
	[tilespmem:s11+$0x6740] =	vst v3  }
0xda: {  	v3 =	vld [tilespmem:s22+$0x4E40]  }
0xdb: {  	v59 =	vld [tilespmem:s22+$0x5AC0]  }
0xdc: {  	v60 =	vpop (erf)  }
0xdd: {  	v61 =	vpop (erf)  }
0xde: {  	v62 =	vpop (erf)  }
0xdf: {  	v4 =	vmul.f32 v60, v4;
	v5 =	vmul.f32 v61, v58;
	v63 =	vpop (erf)  }
0xe0: {  	v3 =	vmul.f32 v62, v3;
	v6 =	vmul.f32 v63, v59  }
0xe1: {  	v4 =	vadd.f32 v5, v4  }
0xe2: {  	v3 =	vadd.f32 v6, v3  }
0xe3: {  	[tilespmem:s18+$0x6740] =	vst v4  }
0xe4: {  	s12 =	simm.s32 @p0 $0x6740;
	s11 =	simm.s32 @p0 $0x0;
	[tilespmem:s22+$0x6740] =	vst v3  }
0xe5: {  	[hbm4b:s21+s11] =	stream.linear.scatter @p0 [tilespmem:s12], [sflag:$0x4], $0x3E8, $0x38;
	[tilespmem:$0x8680] =	vst v63  }
0xe6: {  	s11 =	simm.s32 @p0 $0x4  }
0xe7: {  	_ =	swait.ge @p0 [sflag:s11], $0x3E8  }
0xe8: {  	[sflag:s11] =	ssyncset.done @p0 $0x0  }
0xe9: {  	s12 =	simm.s32 @!p0 $0x6740;
	[sflag:s11] =	ssyncadd.s32 @p0 $0xFFFFFC18;
	s11 =	simm.s32 @!p0 $0x0  }
0xea: {  	[hbm4b:s21+s11] =	stream.linear.scatter @!p0 [tilespmem:s12], [sflag:$0x4], $0x640, $0x38;
	[tilespmem:$0x8680] =	vst v63  }
0xeb: {  	s11 =	simm.s32 @!p0 $0x4  }
0xec: {  	_ =	swait.ge @!p0 [sflag:s11], $0x640  }
0xed: {  	s6 =	sadd.s32 $0x1, s6;
	s22 =	rddreg [dreg:$0xd]  }
0xee: {  	p1 =	sne.s32 s6, s22  }
.Ltmp6:
0xef: {  	_ = 	snop;
	(pc) =	sbr.rel @p1 .LBB2_1-.Ltmp6, $3  }
0xf0: {  	_ =	sdelay $0x1  }
0xf1: {  	[sflag:s11] =	ssyncset.done @!p0 $0x0  }
0xf2: {  	[sflag:s11] =	ssyncadd.s32 @!p0 $0xFFFFF9C0  }
0xf3: {  	_ =	sfence.sel $0x180000  }
0xf4: {  	[bflag:$0x0] =	sbarrier.arrive $0xFFFF  }
0xf5: {  	_ =	strace $0x9000004A  }
0xf6: {  	s0 =	stileid.u32;
	[bflag:$0x2] =	sbarrier.arrive $0xFFFF  }
0xf7: {  	p0 =	sne.s32 s0, $0x0;
	s0 =	rddreg [dreg:$0x5]  }
0xf8: {  	s0 =	sadd.s32 @!p0 $0x100000, s0  }
0xf9: {  	[sflag:s0] =	ssyncadd.tile.s32 @!p0 $0x1;
	_ =	shalt  }
.Lfunc_end2:
_tile_overlayer_lowered:
.L_overlay_start_2:
0xfa: {  	(tag) =	ssettag $0x2  }
0xfb: {  	s0 =	rddreg [dreg:$0x0];
	s2 =	stileid.u32  }
0xfc: {  	s1 =	rddreg [dreg:$0x1];
	p0 =	sne.s32 s2, $0x0  }
0xfd: {  	s3 =	rddreg [dreg:$0x2];
	[bflag:$0x3] =	sbarrier.arrive $0xFFFF;
	s2 =	simm.s32 @!p0 $0x1C04  }
0xfe: {  	[timem:s3], [sflag:s2] =	dma.local @!p0 [hbm:s0], s1  }
0xff: {  	s0 =	simm.s32 @!p0 $0x4  }
0x100: {  	_ =	swait.ge @!p0 [sflag:s0], s1  }
0x101: {  	s1 =	ssub.s32 @!p0 $0x0, s1;
	[sflag:s0] =	ssyncset.done @!p0 $0x0  }
0x102: {  	[sflag:s0] =	ssyncadd.s32 @!p0 s1  }
0x103: {  	[bflag:$0x3] =	sbarrier.arrive $0xFFFF  }
0x104: {  	_ =	shalt  }

</sc_bundles>
